<compile_context>
chip_gen: v7x
topology: tpu7x:2x2x1
jax: 0.10.2.dev20260603
libtpu: 0.0.44.dev20260713+nightly
codegen_flags: <defaults>
</compile_context>

<pallas_src>
import functools

import jax
import jax.numpy as jnp
from jax import lax
from jax.experimental import pallas as pl
from jax.experimental.pallas import tpu as pltpu
from jax.experimental.pallas import tpu_sc as plsc

B = 16384
F = 26
V = 100000
NC = 2
NS = 16
NW = NC * NS
BPW = B // NW
EPW = BPW * F


FH = 13


def _sc_body(table_hbm, x_hbm, out_hbm, xblk_v, idx_v, rows_v, out_v,
             sem, gsem, gsem2):
    wid = lax.axis_index("s") * NC + lax.axis_index("c")
    base = wid * BPW

    pltpu.sync_copy(x_hbm.at[:, pl.ds(base, BPW)], xblk_v)

    def build(f0):
        def chunk(c, _):
            for fl in range(FH):
                f = f0 + fl
                x16 = xblk_v[f, pl.ds(c * 16, 16)]
                idx_v[pl.ds(f * BPW + c * 16, 16)] = x16 + jnp.int32(f * V)
            return 0
        lax.fori_loop(0, BPW // 16, chunk, 0)

    g1 = pltpu.make_async_copy(
        table_hbm.at[idx_v.at[pl.ds(0, FH * BPW)]],
        rows_v.at[pl.ds(0, FH * BPW)], gsem)
    g2 = pltpu.make_async_copy(
        table_hbm.at[idx_v.at[pl.ds(FH * BPW, FH * BPW)]],
        rows_v.at[pl.ds(FH * BPW, FH * BPW)], gsem2)

    build(0)
    g1.start()
    build(FH)
    g2.start()

    g1.wait()

    def reduce1(c, _):
        acc = rows_v[pl.ds(c * 16, 16)]
        for f in range(1, FH):
            acc = acc + rows_v[pl.ds(f * BPW + c * 16, 16)]
        out_v[pl.ds(c * 16, 16)] = acc
        return 0

    lax.fori_loop(0, BPW // 16, reduce1, 0)

    g2.wait()

    def reduce2(c, _):
        acc = out_v[pl.ds(c * 16, 16)]
        for f in range(FH, F):
            acc = acc + rows_v[pl.ds(f * BPW + c * 16, 16)]
        out_v[pl.ds(c * 16, 16)] = 1.0 / (1.0 + jnp.exp(-acc))
        return 0

    lax.fori_loop(0, BPW // 16, reduce2, 0)

    pltpu.sync_copy(out_v, out_hbm.at[pl.ds(base, BPW)])


_sc_kernel = functools.partial(
    pl.kernel,
    out_type=jax.ShapeDtypeStruct((B,), jnp.float32),
    mesh=plsc.VectorSubcoreMesh(
        core_axis_name="c", subcore_axis_name="s",
        num_cores=NC, num_subcores=NS),
    compiler_params=pltpu.CompilerParams(
        needs_layout_passes=False, use_tc_tiling_on_sc=True),
    scratch_types=[
        pltpu.VMEM((F, BPW), jnp.int32),
        pltpu.VMEM((EPW,), jnp.int32),
        pltpu.VMEM((EPW,), jnp.float32),
        pltpu.VMEM((BPW,), jnp.float32),
        pltpu.SemaphoreType.DMA,
        pltpu.SemaphoreType.DMA,
        pltpu.SemaphoreType.DMA,
    ],
)(_sc_body)


def kernel(X, emb_tables):
    t2 = jnp.squeeze(emb_tables, 2)
    t2 = lax.optimization_barrier(t2)
    table_flat = t2.reshape(F * V)
    out = _sc_kernel(table_flat, X.T)
    return out.reshape(B, 1)

# --- scband reference (transcript-rebuilt; emitter-appended) ---
"""Pipeline reference for scband-base-model-31035433681089 (READ-ONLY COPY).

The authoritative reference and input builder live on the scoring server;
editing this copy changes nothing except your own understanding.
"""

import jax, jax.numpy as jnp
import numpy as np

B = 16384
F = 26
V = 100000
D = 1  # linear embedding dim (DeepCTR Linear always uses embedding_dim=1)


def setup_inputs(seed: int = 0) -> dict:
    key = jax.random.key(seed)
    k1, k2 = jax.random.split(key)
    # X: [B, F] int feature-id matrix; each column is one sparse field with vocab V
    X = jax.random.randint(k1, (B, F), 0, V, dtype=jnp.int32)
    # Per-field linear embedding tables (dim=1), init N(0, init_std=1e-4)
    emb_tables = jax.random.normal(k2, (F, V, D), dtype=jnp.float32) * 1e-4
    return {"X": X, "emb_tables": emb_tables}


def reference(X, emb_tables):
    # Per-field gather: embeds[b, f, :] = emb_tables[f, X[b, f], :]
    def gather(table, idx):
        return jnp.take(table, idx, axis=0)  # [B, D]

    embeds = jax.vmap(gather, in_axes=(0, 1), out_axes=1)(emb_tables, X)  # [B, F, D]
    # torch: cat per-field [B,1,1] embeddings on last dim -> [B,1,F], then sum(dim=-1) -> [B,1]
    sparse_cat = embeds.reshape(embeds.shape[0], -1)  # [B, F*D]
    linear_logit = jnp.zeros((X.shape[0], 1), dtype=jnp.float32) + jnp.sum(
        sparse_cat, axis=-1, keepdims=True
    )
    # PredictionLayer(task='binary') -> sigmoid
    return jax.nn.sigmoid(linear_logit)

if __name__ == "__main__":
    import jax
    _d = setup_inputs()
    print(jax.jit(kernel)(*tuple(_d.values())))

</pallas_src>

<mosaic_0001>
#map = affine_map<(d0, d1) -> (0)>
#map1 = affine_map<(d0, d1) -> (0, 0)>
module attributes {stable_mosaic.version = 14 : i64} {
  func.func @_sc_body(%arg0: i32, %arg1: i32, %arg2: memref<2600000xf32, #tpu.memory_space<hbm>>, %arg3: memref<26x16384xi32, #tpu.memory_space<hbm>>, %arg4: memref<16384xf32, #tpu.memory_space<hbm>>, %arg5: memref<26x512xi32, #tpu.memory_space<vmem>>, %arg6: memref<13312xi32, #tpu.memory_space<vmem>>, %arg7: memref<13312xf32, #tpu.memory_space<vmem>>, %arg8: memref<512xf32, #tpu.memory_space<vmem>>, %arg9: memref<!tpu.dma_semaphore, #tpu.memory_space<semaphore_mem>>, %arg10: memref<!tpu.dma_semaphore, #tpu.memory_space<semaphore_mem>>, %arg11: memref<!tpu.dma_semaphore, #tpu.memory_space<semaphore_mem>>) attributes {dimension_semantics = [#tpu.dimension_semantics<core_parallel>, #tpu.dimension_semantics<subcore_parallel>], iteration_bounds = array<i64: 2, 16>, scalar_prefetch = 0 : i64, scratch_operands = 7 : i64, tpu.core_type = #tpu.core_type<sc_vector_subcore>, window_params = [{transform_indices = #map}, {transform_indices = #map1}, {transform_indices = #map}]} {
    %mul3A = arith.constant 2 : i32
    %mul3A_0 = arith.muli %arg1, %mul3A : i32
    %add3A = arith.addi %mul3A_0, %arg0 : i32
    %mul3A_1 = arith.constant 512 : i32
    %mul3A_2 = arith.muli %add3A, %mul3A_1 : i32
    "tpu.region"() ({
      %run_scoped3A = tpu.sem_alloc : memref<!tpu.dma_semaphore, #tpu.memory_space<semaphore_mem>>
      %dma_start3A_52 = arith.constant 0 : i32
      %dma_start3A_53 = tpu.memref_slice %arg3[%dma_start3A_52, %mul3A_2] : memref<26x16384xi32, #tpu.memory_space<hbm>> -> memref<26x512xi32, #tpu.memory_space<hbm>>
      %dma_start3A_54 = arith.constant 0 : i32
      %dma_start3A_55 = tpu.memref_slice %arg3[%dma_start3A_54, %mul3A_2] : memref<26x16384xi32, #tpu.memory_space<hbm>> -> memref<26x512xi32, #tpu.memory_space<hbm>>
      tpu.enqueue_dma source(%dma_start3A_55 : memref<26x512xi32, #tpu.memory_space<hbm>>) target(%arg5 : memref<26x512xi32, #tpu.memory_space<vmem>>) target_semaphore(%run_scoped3A : memref<!tpu.dma_semaphore, #tpu.memory_space<semaphore_mem>>)
      %dma_wait3A_56 = arith.constant 0 : i32
      %dma_wait3A_57 = tpu.memref_slice %arg3[%dma_wait3A_56, %mul3A_2] : memref<26x16384xi32, #tpu.memory_space<hbm>> -> memref<26x512xi32, #tpu.memory_space<hbm>>
      %dma_wait3A_58 = arith.constant 0 : i32
      %dma_wait3A_59 = tpu.memref_slice %arg3[%dma_wait3A_58, %mul3A_2] : memref<26x16384xi32, #tpu.memory_space<hbm>> -> memref<26x512xi32, #tpu.memory_space<hbm>>
      tpu.wait_dma2 semaphore(%run_scoped3A : memref<!tpu.dma_semaphore, #tpu.memory_space<semaphore_mem>>) src(%dma_wait3A_59 : memref<26x512xi32, #tpu.memory_space<hbm>>) dst(%arg5 : memref<26x512xi32, #tpu.memory_space<vmem>>)
      tpu.yield
    }) : () -> ()
    %scan3A = arith.constant 0 : i32
    %scan3A_3 = arith.constant 0 : i32
    %scan3A_4 = arith.constant 32 : i32
    %scan3A_5 = arith.addi %scan3A_3, %scan3A_4 : i32
    %scan3A_6 = arith.constant 1 : i32
    %scan3A_7 = scf.for %scan3A_52 = %scan3A_3 to %scan3A_5 step %scan3A_6 iter_args(%scan3A_53 = %scan3A) -> (i32)  : i32 {
      %mul3A_54 = arith.constant 16 : i32
      %mul3A_55 = arith.muli %scan3A_52, %mul3A_54 : i32
      %get3A = arith.constant 0 : i32
      %get3A_56 = arith.index_cast %get3A : i32 to index
      %get3A_57 = arith.index_cast %mul3A_55 : i32 to index
      %get3A_58 = tpu.vector_load %arg5[%get3A_56, %get3A_57] {strides = array<i32>} : memref<26x512xi32, #tpu.memory_space<vmem>>, vector<16xi32>,
      %add3A_59 = arith.constant 0 : i32
      %add3A_60 = vector.broadcast %add3A_59 : i32 to vector<16xi32>
      %add3A_61 = arith.addi %get3A_58, %add3A_60 : vector<16xi32>
      %mul3A_62 = arith.constant 16 : i32
      %mul3A_63 = arith.muli %scan3A_52, %mul3A_62 : i32
      %add3A_64 = arith.constant 0 : i32
      %add3A_65 = arith.addi %add3A_64, %mul3A_63 : i32
      %swap3A = arith.index_cast %add3A_65 : i32 to index
      %swap3A_66 = tpu.vector_load %arg6[%swap3A] {strides = array<i32>} : memref<13312xi32, #tpu.memory_space<vmem>>, vector<16xi32>,
      tpu.vector_store %arg6[%swap3A], %add3A_61 {strides = array<i32>} : memref<13312xi32, #tpu.memory_space<vmem>>, vector<16xi32>,
      %mul3A_67 = arith.constant 16 : i32
      %mul3A_68 = arith.muli %scan3A_52, %mul3A_67 : i32
      %get3A_69 = arith.constant 1 : i32
      %get3A_70 = arith.index_cast %get3A_69 : i32 to index
      %get3A_71 = arith.index_cast %mul3A_68 : i32 to index
      %get3A_72 = tpu.vector_load %arg5[%get3A_70, %get3A_71] {strides = array<i32>} : memref<26x512xi32, #tpu.memory_space<vmem>>, vector<16xi32>,
      %add3A_73 = arith.constant 100000 : i32
      %add3A_74 = vector.broadcast %add3A_73 : i32 to vector<16xi32>
      %add3A_75 = arith.addi %get3A_72, %add3A_74 : vector<16xi32>
      %mul3A_76 = arith.constant 16 : i32
      %mul3A_77 = arith.muli %scan3A_52, %mul3A_76 : i32
      %add3A_78 = arith.constant 512 : i32
      %add3A_79 = arith.addi %add3A_78, %mul3A_77 : i32
      %swap3A_80 = arith.index_cast %add3A_79 : i32 to index
      %swap3A_81 = tpu.vector_load %arg6[%swap3A_80] {strides = array<i32>} : memref<13312xi32, #tpu.memory_space<vmem>>, vector<16xi32>,
      tpu.vector_store %arg6[%swap3A_80], %add3A_75 {strides = array<i32>} : memref<13312xi32, #tpu.memory_space<vmem>>, vector<16xi32>,
      %mul3A_82 = arith.constant 16 : i32
      %mul3A_83 = arith.muli %scan3A_52, %mul3A_82 : i32
      %get3A_84 = arith.constant 2 : i32
      %get3A_85 = arith.index_cast %get3A_84 : i32 to index
      %get3A_86 = arith.index_cast %mul3A_83 : i32 to index
      %get3A_87 = tpu.vector_load %arg5[%get3A_85, %get3A_86] {strides = array<i32>} : memref<26x512xi32, #tpu.memory_space<vmem>>, vector<16xi32>,
      %add3A_88 = arith.constant 200000 : i32
      %add3A_89 = vector.broadcast %add3A_88 : i32 to vector<16xi32>
      %add3A_90 = arith.addi %get3A_87, %add3A_89 : vector<16xi32>
      %mul3A_91 = arith.constant 16 : i32
      %mul3A_92 = arith.muli %scan3A_52, %mul3A_91 : i32
      %add3A_93 = arith.constant 1024 : i32
      %add3A_94 = arith.addi %add3A_93, %mul3A_92 : i32
      %swap3A_95 = arith.index_cast %add3A_94 : i32 to index
      %swap3A_96 = tpu.vector_load %arg6[%swap3A_95] {strides = array<i32>} : memref<13312xi32, #tpu.memory_space<vmem>>, vector<16xi32>,
      tpu.vector_store %arg6[%swap3A_95], %add3A_90 {strides = array<i32>} : memref<13312xi32, #tpu.memory_space<vmem>>, vector<16xi32>,
      %mul3A_97 = arith.constant 16 : i32
      %mul3A_98 = arith.muli %scan3A_52, %mul3A_97 : i32
      %get3A_99 = arith.constant 3 : i32
      %get3A_100 = arith.index_cast %get3A_99 : i32 to index
      %get3A_101 = arith.index_cast %mul3A_98 : i32 to index
      %get3A_102 = tpu.vector_load %arg5[%get3A_100, %get3A_101] {strides = array<i32>} : memref<26x512xi32, #tpu.memory_space<vmem>>, vector<16xi32>,
      %add3A_103 = arith.constant 300000 : i32
      %add3A_104 = vector.broadcast %add3A_103 : i32 to vector<16xi32>
      %add3A_105 = arith.addi %get3A_102, %add3A_104 : vector<16xi32>
      %mul3A_106 = arith.constant 16 : i32
      %mul3A_107 = arith.muli %scan3A_52, %mul3A_106 : i32
      %add3A_108 = arith.constant 1536 : i32
      %add3A_109 = arith.addi %add3A_108, %mul3A_107 : i32
      %swap3A_110 = arith.index_cast %add3A_109 : i32 to index
      %swap3A_111 = tpu.vector_load %arg6[%swap3A_110] {strides = array<i32>} : memref<13312xi32, #tpu.memory_space<vmem>>, vector<16xi32>,
      tpu.vector_store %arg6[%swap3A_110], %add3A_105 {strides = array<i32>} : memref<13312xi32, #tpu.memory_space<vmem>>, vector<16xi32>,
      %mul3A_112 = arith.constant 16 : i32
      %mul3A_113 = arith.muli %scan3A_52, %mul3A_112 : i32
      %get3A_114 = arith.constant 4 : i32
      %get3A_115 = arith.index_cast %get3A_114 : i32 to index
      %get3A_116 = arith.index_cast %mul3A_113 : i32 to index
      %get3A_117 = tpu.vector_load %arg5[%get3A_115, %get3A_116] {strides = array<i32>} : memref<26x512xi32, #tpu.memory_space<vmem>>, vector<16xi32>,
      %add3A_118 = arith.constant 400000 : i32
      %add3A_119 = vector.broadcast %add3A_118 : i32 to vector<16xi32>
      %add3A_120 = arith.addi %get3A_117, %add3A_119 : vector<16xi32>
      %mul3A_121 = arith.constant 16 : i32
      %mul3A_122 = arith.muli %scan3A_52, %mul3A_121 : i32
      %add3A_123 = arith.constant 2048 : i32
      %add3A_124 = arith.addi %add3A_123, %mul3A_122 : i32
      %swap3A_125 = arith.index_cast %add3A_124 : i32 to index
      %swap3A_126 = tpu.vector_load %arg6[%swap3A_125] {strides = array<i32>} : memref<13312xi32, #tpu.memory_space<vmem>>, vector<16xi32>,
      tpu.vector_store %arg6[%swap3A_125], %add3A_120 {strides = array<i32>} : memref<13312xi32, #tpu.memory_space<vmem>>, vector<16xi32>,
      %mul3A_127 = arith.constant 16 : i32
      %mul3A_128 = arith.muli %scan3A_52, %mul3A_127 : i32
      %get3A_129 = arith.constant 5 : i32
      %get3A_130 = arith.index_cast %get3A_129 : i32 to index
      %get3A_131 = arith.index_cast %mul3A_128 : i32 to index
      %get3A_132 = tpu.vector_load %arg5[%get3A_130, %get3A_131] {strides = array<i32>} : memref<26x512xi32, #tpu.memory_space<vmem>>, vector<16xi32>,
      %add3A_133 = arith.constant 500000 : i32
      %add3A_134 = vector.broadcast %add3A_133 : i32 to vector<16xi32>
      %add3A_135 = arith.addi %get3A_132, %add3A_134 : vector<16xi32>
      %mul3A_136 = arith.constant 16 : i32
      %mul3A_137 = arith.muli %scan3A_52, %mul3A_136 : i32
      %add3A_138 = arith.constant 2560 : i32
      %add3A_139 = arith.addi %add3A_138, %mul3A_137 : i32
      %swap3A_140 = arith.index_cast %add3A_139 : i32 to index
      %swap3A_141 = tpu.vector_load %arg6[%swap3A_140] {strides = array<i32>} : memref<13312xi32, #tpu.memory_space<vmem>>, vector<16xi32>,
      tpu.vector_store %arg6[%swap3A_140], %add3A_135 {strides = array<i32>} : memref<13312xi32, #tpu.memory_space<vmem>>, vector<16xi32>,
      %mul3A_142 = arith.constant 16 : i32
      %mul3A_143 = arith.muli %scan3A_52, %mul3A_142 : i32
      %get3A_144 = arith.constant 6 : i32
      %get3A_145 = arith.index_cast %get3A_144 : i32 to index
      %get3A_146 = arith.index_cast %mul3A_143 : i32 to index
      %get3A_147 = tpu.vector_load %arg5[%get3A_145, %get3A_146] {strides = array<i32>} : memref<26x512xi32, #tpu.memory_space<vmem>>, vector<16xi32>,
      %add3A_148 = arith.constant 600000 : i32
      %add3A_149 = vector.broadcast %add3A_148 : i32 to vector<16xi32>
      %add3A_150 = arith.addi %get3A_147, %add3A_149 : vector<16xi32>
      %mul3A_151 = arith.constant 16 : i32
      %mul3A_152 = arith.muli %scan3A_52, %mul3A_151 : i32
      %add3A_153 = arith.constant 3072 : i32
      %add3A_154 = arith.addi %add3A_153, %mul3A_152 : i32
      %swap3A_155 = arith.index_cast %add3A_154 : i32 to index
      %swap3A_156 = tpu.vector_load %arg6[%swap3A_155] {strides = array<i32>} : memref<13312xi32, #tpu.memory_space<vmem>>, vector<16xi32>,
      tpu.vector_store %arg6[%swap3A_155], %add3A_150 {strides = array<i32>} : memref<13312xi32, #tpu.memory_space<vmem>>, vector<16xi32>,
      %mul3A_157 = arith.constant 16 : i32
      %mul3A_158 = arith.muli %scan3A_52, %mul3A_157 : i32
      %get3A_159 = arith.constant 7 : i32
      %get3A_160 = arith.index_cast %get3A_159 : i32 to index
      %get3A_161 = arith.index_cast %mul3A_158 : i32 to index
      %get3A_162 = tpu.vector_load %arg5[%get3A_160, %get3A_161] {strides = array<i32>} : memref<26x512xi32, #tpu.memory_space<vmem>>, vector<16xi32>,
      %add3A_163 = arith.constant 700000 : i32
      %add3A_164 = vector.broadcast %add3A_163 : i32 to vector<16xi32>
      %add3A_165 = arith.addi %get3A_162, %add3A_164 : vector<16xi32>
      %mul3A_166 = arith.constant 16 : i32
      %mul3A_167 = arith.muli %scan3A_52, %mul3A_166 : i32
      %add3A_168 = arith.constant 3584 : i32
      %add3A_169 = arith.addi %add3A_168, %mul3A_167 : i32
      %swap3A_170 = arith.index_cast %add3A_169 : i32 to index
      %swap3A_171 = tpu.vector_load %arg6[%swap3A_170] {strides = array<i32>} : memref<13312xi32, #tpu.memory_space<vmem>>, vector<16xi32>,
      tpu.vector_store %arg6[%swap3A_170], %add3A_165 {strides = array<i32>} : memref<13312xi32, #tpu.memory_space<vmem>>, vector<16xi32>,
      %mul3A_172 = arith.constant 16 : i32
      %mul3A_173 = arith.muli %scan3A_52, %mul3A_172 : i32
      %get3A_174 = arith.constant 8 : i32
      %get3A_175 = arith.index_cast %get3A_174 : i32 to index
      %get3A_176 = arith.index_cast %mul3A_173 : i32 to index
      %get3A_177 = tpu.vector_load %arg5[%get3A_175, %get3A_176] {strides = array<i32>} : memref<26x512xi32, #tpu.memory_space<vmem>>, vector<16xi32>,
      %add3A_178 = arith.constant 800000 : i32
      %add3A_179 = vector.broadcast %add3A_178 : i32 to vector<16xi32>
      %add3A_180 = arith.addi %get3A_177, %add3A_179 : vector<16xi32>
      %mul3A_181 = arith.constant 16 : i32
      %mul3A_182 = arith.muli %scan3A_52, %mul3A_181 : i32
      %add3A_183 = arith.constant 4096 : i32
      %add3A_184 = arith.addi %add3A_183, %mul3A_182 : i32
      %swap3A_185 = arith.index_cast %add3A_184 : i32 to index
      %swap3A_186 = tpu.vector_load %arg6[%swap3A_185] {strides = array<i32>} : memref<13312xi32, #tpu.memory_space<vmem>>, vector<16xi32>,
      tpu.vector_store %arg6[%swap3A_185], %add3A_180 {strides = array<i32>} : memref<13312xi32, #tpu.memory_space<vmem>>, vector<16xi32>,
      %mul3A_187 = arith.constant 16 : i32
      %mul3A_188 = arith.muli %scan3A_52, %mul3A_187 : i32
      %get3A_189 = arith.constant 9 : i32
      %get3A_190 = arith.index_cast %get3A_189 : i32 to index
      %get3A_191 = arith.index_cast %mul3A_188 : i32 to index
      %get3A_192 = tpu.vector_load %arg5[%get3A_190, %get3A_191] {strides = array<i32>} : memref<26x512xi32, #tpu.memory_space<vmem>>, vector<16xi32>,
      %add3A_193 = arith.constant 900000 : i32
      %add3A_194 = vector.broadcast %add3A_193 : i32 to vector<16xi32>
      %add3A_195 = arith.addi %get3A_192, %add3A_194 : vector<16xi32>
      %mul3A_196 = arith.constant 16 : i32
      %mul3A_197 = arith.muli %scan3A_52, %mul3A_196 : i32
      %add3A_198 = arith.constant 4608 : i32
      %add3A_199 = arith.addi %add3A_198, %mul3A_197 : i32
      %swap3A_200 = arith.index_cast %add3A_199 : i32 to index
      %swap3A_201 = tpu.vector_load %arg6[%swap3A_200] {strides = array<i32>} : memref<13312xi32, #tpu.memory_space<vmem>>, vector<16xi32>,
      tpu.vector_store %arg6[%swap3A_200], %add3A_195 {strides = array<i32>} : memref<13312xi32, #tpu.memory_space<vmem>>, vector<16xi32>,
      %mul3A_202 = arith.constant 16 : i32
      %mul3A_203 = arith.muli %scan3A_52, %mul3A_202 : i32
      %get3A_204 = arith.constant 10 : i32
      %get3A_205 = arith.index_cast %get3A_204 : i32 to index
      %get3A_206 = arith.index_cast %mul3A_203 : i32 to index
      %get3A_207 = tpu.vector_load %arg5[%get3A_205, %get3A_206] {strides = array<i32>} : memref<26x512xi32, #tpu.memory_space<vmem>>, vector<16xi32>,
      %add3A_208 = arith.constant 1000000 : i32
      %add3A_209 = vector.broadcast %add3A_208 : i32 to vector<16xi32>
      %add3A_210 = arith.addi %get3A_207, %add3A_209 : vector<16xi32>
      %mul3A_211 = arith.constant 16 : i32
      %mul3A_212 = arith.muli %scan3A_52, %mul3A_211 : i32
      %add3A_213 = arith.constant 5120 : i32
      %add3A_214 = arith.addi %add3A_213, %mul3A_212 : i32
      %swap3A_215 = arith.index_cast %add3A_214 : i32 to index
      %swap3A_216 = tpu.vector_load %arg6[%swap3A_215] {strides = array<i32>} : memref<13312xi32, #tpu.memory_space<vmem>>, vector<16xi32>,
      tpu.vector_store %arg6[%swap3A_215], %add3A_210 {strides = array<i32>} : memref<13312xi32, #tpu.memory_space<vmem>>, vector<16xi32>,
      %mul3A_217 = arith.constant 16 : i32
      %mul3A_218 = arith.muli %scan3A_52, %mul3A_217 : i32
      %get3A_219 = arith.constant 11 : i32
      %get3A_220 = arith.index_cast %get3A_219 : i32 to index
      %get3A_221 = arith.index_cast %mul3A_218 : i32 to index
      %get3A_222 = tpu.vector_load %arg5[%get3A_220, %get3A_221] {strides = array<i32>} : memref<26x512xi32, #tpu.memory_space<vmem>>, vector<16xi32>,
      %add3A_223 = arith.constant 1100000 : i32
      %add3A_224 = vector.broadcast %add3A_223 : i32 to vector<16xi32>
      %add3A_225 = arith.addi %get3A_222, %add3A_224 : vector<16xi32>
      %mul3A_226 = arith.constant 16 : i32
      %mul3A_227 = arith.muli %scan3A_52, %mul3A_226 : i32
      %add3A_228 = arith.constant 5632 : i32
      %add3A_229 = arith.addi %add3A_228, %mul3A_227 : i32
      %swap3A_230 = arith.index_cast %add3A_229 : i32 to index
      %swap3A_231 = tpu.vector_load %arg6[%swap3A_230] {strides = array<i32>} : memref<13312xi32, #tpu.memory_space<vmem>>, vector<16xi32>,
      tpu.vector_store %arg6[%swap3A_230], %add3A_225 {strides = array<i32>} : memref<13312xi32, #tpu.memory_space<vmem>>, vector<16xi32>,
      %mul3A_232 = arith.constant 16 : i32
      %mul3A_233 = arith.muli %scan3A_52, %mul3A_232 : i32
      %get3A_234 = arith.constant 12 : i32
      %get3A_235 = arith.index_cast %get3A_234 : i32 to index
      %get3A_236 = arith.index_cast %mul3A_233 : i32 to index
      %get3A_237 = tpu.vector_load %arg5[%get3A_235, %get3A_236] {strides = array<i32>} : memref<26x512xi32, #tpu.memory_space<vmem>>, vector<16xi32>,
      %add3A_238 = arith.constant 1200000 : i32
      %add3A_239 = vector.broadcast %add3A_238 : i32 to vector<16xi32>
      %add3A_240 = arith.addi %get3A_237, %add3A_239 : vector<16xi32>
      %mul3A_241 = arith.constant 16 : i32
      %mul3A_242 = arith.muli %scan3A_52, %mul3A_241 : i32
      %add3A_243 = arith.constant 6144 : i32
      %add3A_244 = arith.addi %add3A_243, %mul3A_242 : i32
      %swap3A_245 = arith.index_cast %add3A_244 : i32 to index
      %swap3A_246 = tpu.vector_load %arg6[%swap3A_245] {strides = array<i32>} : memref<13312xi32, #tpu.memory_space<vmem>>, vector<16xi32>,
      tpu.vector_store %arg6[%swap3A_245], %add3A_240 {strides = array<i32>} : memref<13312xi32, #tpu.memory_space<vmem>>, vector<16xi32>,
      %scan3A_247 = arith.constant 0 : i32
      scf.yield %scan3A_247 : i32
    }
    %scan3A_8 = arith.constant 32 : i32
    %dma_start3A = arith.constant 0 : i32
    %dma_start3A_9 = tpu.memref_slice %arg7[%dma_start3A] : memref<13312xf32, #tpu.memory_space<vmem>> -> memref<6656xf32, #tpu.memory_space<vmem>>
    %dma_start3A_10 = arith.constant 0 : i32
    %dma_start3A_11 = tpu.memref_slice %arg6[%dma_start3A_10] : memref<13312xi32, #tpu.memory_space<vmem>> -> memref<6656xi32, #tpu.memory_space<vmem>>
    %dma_start3A_12 = arith.constant 0 : i32
    %dma_start3A_13 = tpu.memref_slice %arg2[%dma_start3A_12] : memref<2600000xf32, #tpu.memory_space<hbm>> -> memref<2600000xf32, #tpu.memory_space<hbm>>
    tpu.enqueue_indirect_dma source(%dma_start3A_13 : memref<2600000xf32, #tpu.memory_space<hbm>>) target(%dma_start3A_9 : memref<6656xf32, #tpu.memory_space<vmem>>) offsets(%dma_start3A_11 : memref<6656xi32, #tpu.memory_space<vmem>>) semaphore(%arg10 : memref<!tpu.dma_semaphore, #tpu.memory_space<semaphore_mem>>)
    %scan3A_14 = arith.constant 0 : i32
    %scan3A_15 = arith.constant 0 : i32
    %scan3A_16 = arith.constant 32 : i32
    %scan3A_17 = arith.addi %scan3A_15, %scan3A_16 : i32
    %scan3A_18 = arith.constant 1 : i32
    %scan3A_19 = scf.for %scan3A_52 = %scan3A_15 to %scan3A_17 step %scan3A_18 iter_args(%scan3A_53 = %scan3A_14) -> (i32)  : i32 {
      %mul3A_54 = arith.constant 16 : i32
      %mul3A_55 = arith.muli %scan3A_52, %mul3A_54 : i32
      %get3A = arith.constant 13 : i32
      %get3A_56 = arith.index_cast %get3A : i32 to index
      %get3A_57 = arith.index_cast %mul3A_55 : i32 to index
      %get3A_58 = tpu.vector_load %arg5[%get3A_56, %get3A_57] {strides = array<i32>} : memref<26x512xi32, #tpu.memory_space<vmem>>, vector<16xi32>,
      %add3A_59 = arith.constant 1300000 : i32
      %add3A_60 = vector.broadcast %add3A_59 : i32 to vector<16xi32>
      %add3A_61 = arith.addi %get3A_58, %add3A_60 : vector<16xi32>
      %mul3A_62 = arith.constant 16 : i32
      %mul3A_63 = arith.muli %scan3A_52, %mul3A_62 : i32
      %add3A_64 = arith.constant 6656 : i32
      %add3A_65 = arith.addi %add3A_64, %mul3A_63 : i32
      %swap3A = arith.index_cast %add3A_65 : i32 to index
      %swap3A_66 = tpu.vector_load %arg6[%swap3A] {strides = array<i32>} : memref<13312xi32, #tpu.memory_space<vmem>>, vector<16xi32>,
      tpu.vector_store %arg6[%swap3A], %add3A_61 {strides = array<i32>} : memref<13312xi32, #tpu.memory_space<vmem>>, vector<16xi32>,
      %mul3A_67 = arith.constant 16 : i32
      %mul3A_68 = arith.muli %scan3A_52, %mul3A_67 : i32
      %get3A_69 = arith.constant 14 : i32
      %get3A_70 = arith.index_cast %get3A_69 : i32 to index
      %get3A_71 = arith.index_cast %mul3A_68 : i32 to index
      %get3A_72 = tpu.vector_load %arg5[%get3A_70, %get3A_71] {strides = array<i32>} : memref<26x512xi32, #tpu.memory_space<vmem>>, vector<16xi32>,
      %add3A_73 = arith.constant 1400000 : i32
      %add3A_74 = vector.broadcast %add3A_73 : i32 to vector<16xi32>
      %add3A_75 = arith.addi %get3A_72, %add3A_74 : vector<16xi32>
      %mul3A_76 = arith.constant 16 : i32
      %mul3A_77 = arith.muli %scan3A_52, %mul3A_76 : i32
      %add3A_78 = arith.constant 7168 : i32
      %add3A_79 = arith.addi %add3A_78, %mul3A_77 : i32
      %swap3A_80 = arith.index_cast %add3A_79 : i32 to index
      %swap3A_81 = tpu.vector_load %arg6[%swap3A_80] {strides = array<i32>} : memref<13312xi32, #tpu.memory_space<vmem>>, vector<16xi32>,
      tpu.vector_store %arg6[%swap3A_80], %add3A_75 {strides = array<i32>} : memref<13312xi32, #tpu.memory_space<vmem>>, vector<16xi32>,
      %mul3A_82 = arith.constant 16 : i32
      %mul3A_83 = arith.muli %scan3A_52, %mul3A_82 : i32
      %get3A_84 = arith.constant 15 : i32
      %get3A_85 = arith.index_cast %get3A_84 : i32 to index
      %get3A_86 = arith.index_cast %mul3A_83 : i32 to index
      %get3A_87 = tpu.vector_load %arg5[%get3A_85, %get3A_86] {strides = array<i32>} : memref<26x512xi32, #tpu.memory_space<vmem>>, vector<16xi32>,
      %add3A_88 = arith.constant 1500000 : i32
      %add3A_89 = vector.broadcast %add3A_88 : i32 to vector<16xi32>
      %add3A_90 = arith.addi %get3A_87, %add3A_89 : vector<16xi32>
      %mul3A_91 = arith.constant 16 : i32
      %mul3A_92 = arith.muli %scan3A_52, %mul3A_91 : i32
      %add3A_93 = arith.constant 7680 : i32
      %add3A_94 = arith.addi %add3A_93, %mul3A_92 : i32
      %swap3A_95 = arith.index_cast %add3A_94 : i32 to index
      %swap3A_96 = tpu.vector_load %arg6[%swap3A_95] {strides = array<i32>} : memref<13312xi32, #tpu.memory_space<vmem>>, vector<16xi32>,
      tpu.vector_store %arg6[%swap3A_95], %add3A_90 {strides = array<i32>} : memref<13312xi32, #tpu.memory_space<vmem>>, vector<16xi32>,
      %mul3A_97 = arith.constant 16 : i32
      %mul3A_98 = arith.muli %scan3A_52, %mul3A_97 : i32
      %get3A_99 = arith.constant 16 : i32
      %get3A_100 = arith.index_cast %get3A_99 : i32 to index
      %get3A_101 = arith.index_cast %mul3A_98 : i32 to index
      %get3A_102 = tpu.vector_load %arg5[%get3A_100, %get3A_101] {strides = array<i32>} : memref<26x512xi32, #tpu.memory_space<vmem>>, vector<16xi32>,
      %add3A_103 = arith.constant 1600000 : i32
      %add3A_104 = vector.broadcast %add3A_103 : i32 to vector<16xi32>
      %add3A_105 = arith.addi %get3A_102, %add3A_104 : vector<16xi32>
      %mul3A_106 = arith.constant 16 : i32
      %mul3A_107 = arith.muli %scan3A_52, %mul3A_106 : i32
      %add3A_108 = arith.constant 8192 : i32
      %add3A_109 = arith.addi %add3A_108, %mul3A_107 : i32
      %swap3A_110 = arith.index_cast %add3A_109 : i32 to index
      %swap3A_111 = tpu.vector_load %arg6[%swap3A_110] {strides = array<i32>} : memref<13312xi32, #tpu.memory_space<vmem>>, vector<16xi32>,
      tpu.vector_store %arg6[%swap3A_110], %add3A_105 {strides = array<i32>} : memref<13312xi32, #tpu.memory_space<vmem>>, vector<16xi32>,
      %mul3A_112 = arith.constant 16 : i32
      %mul3A_113 = arith.muli %scan3A_52, %mul3A_112 : i32
      %get3A_114 = arith.constant 17 : i32
      %get3A_115 = arith.index_cast %get3A_114 : i32 to index
      %get3A_116 = arith.index_cast %mul3A_113 : i32 to index
      %get3A_117 = tpu.vector_load %arg5[%get3A_115, %get3A_116] {strides = array<i32>} : memref<26x512xi32, #tpu.memory_space<vmem>>, vector<16xi32>,
      %add3A_118 = arith.constant 1700000 : i32
      %add3A_119 = vector.broadcast %add3A_118 : i32 to vector<16xi32>
      %add3A_120 = arith.addi %get3A_117, %add3A_119 : vector<16xi32>
      %mul3A_121 = arith.constant 16 : i32
      %mul3A_122 = arith.muli %scan3A_52, %mul3A_121 : i32
      %add3A_123 = arith.constant 8704 : i32
      %add3A_124 = arith.addi %add3A_123, %mul3A_122 : i32
      %swap3A_125 = arith.index_cast %add3A_124 : i32 to index
      %swap3A_126 = tpu.vector_load %arg6[%swap3A_125] {strides = array<i32>} : memref<13312xi32, #tpu.memory_space<vmem>>, vector<16xi32>,
      tpu.vector_store %arg6[%swap3A_125], %add3A_120 {strides = array<i32>} : memref<13312xi32, #tpu.memory_space<vmem>>, vector<16xi32>,
      %mul3A_127 = arith.constant 16 : i32
      %mul3A_128 = arith.muli %scan3A_52, %mul3A_127 : i32
      %get3A_129 = arith.constant 18 : i32
      %get3A_130 = arith.index_cast %get3A_129 : i32 to index
      %get3A_131 = arith.index_cast %mul3A_128 : i32 to index
      %get3A_132 = tpu.vector_load %arg5[%get3A_130, %get3A_131] {strides = array<i32>} : memref<26x512xi32, #tpu.memory_space<vmem>>, vector<16xi32>,
      %add3A_133 = arith.constant 1800000 : i32
      %add3A_134 = vector.broadcast %add3A_133 : i32 to vector<16xi32>
      %add3A_135 = arith.addi %get3A_132, %add3A_134 : vector<16xi32>
      %mul3A_136 = arith.constant 16 : i32
      %mul3A_137 = arith.muli %scan3A_52, %mul3A_136 : i32
      %add3A_138 = arith.constant 9216 : i32
      %add3A_139 = arith.addi %add3A_138, %mul3A_137 : i32
      %swap3A_140 = arith.index_cast %add3A_139 : i32 to index
      %swap3A_141 = tpu.vector_load %arg6[%swap3A_140] {strides = array<i32>} : memref<13312xi32, #tpu.memory_space<vmem>>, vector<16xi32>,
      tpu.vector_store %arg6[%swap3A_140], %add3A_135 {strides = array<i32>} : memref<13312xi32, #tpu.memory_space<vmem>>, vector<16xi32>,
      %mul3A_142 = arith.constant 16 : i32
      %mul3A_143 = arith.muli %scan3A_52, %mul3A_142 : i32
      %get3A_144 = arith.constant 19 : i32
      %get3A_145 = arith.index_cast %get3A_144 : i32 to index
      %get3A_146 = arith.index_cast %mul3A_143 : i32 to index
      %get3A_147 = tpu.vector_load %arg5[%get3A_145, %get3A_146] {strides = array<i32>} : memref<26x512xi32, #tpu.memory_space<vmem>>, vector<16xi32>,
      %add3A_148 = arith.constant 1900000 : i32
      %add3A_149 = vector.broadcast %add3A_148 : i32 to vector<16xi32>
      %add3A_150 = arith.addi %get3A_147, %add3A_149 : vector<16xi32>
      %mul3A_151 = arith.constant 16 : i32
      %mul3A_152 = arith.muli %scan3A_52, %mul3A_151 : i32
      %add3A_153 = arith.constant 9728 : i32
      %add3A_154 = arith.addi %add3A_153, %mul3A_152 : i32
      %swap3A_155 = arith.index_cast %add3A_154 : i32 to index
      %swap3A_156 = tpu.vector_load %arg6[%swap3A_155] {strides = array<i32>} : memref<13312xi32, #tpu.memory_space<vmem>>, vector<16xi32>,
      tpu.vector_store %arg6[%swap3A_155], %add3A_150 {strides = array<i32>} : memref<13312xi32, #tpu.memory_space<vmem>>, vector<16xi32>,
      %mul3A_157 = arith.constant 16 : i32
      %mul3A_158 = arith.muli %scan3A_52, %mul3A_157 : i32
      %get3A_159 = arith.constant 20 : i32
      %get3A_160 = arith.index_cast %get3A_159 : i32 to index
      %get3A_161 = arith.index_cast %mul3A_158 : i32 to index
      %get3A_162 = tpu.vector_load %arg5[%get3A_160, %get3A_161] {strides = array<i32>} : memref<26x512xi32, #tpu.memory_space<vmem>>, vector<16xi32>,
      %add3A_163 = arith.constant 2000000 : i32
      %add3A_164 = vector.broadcast %add3A_163 : i32 to vector<16xi32>
      %add3A_165 = arith.addi %get3A_162, %add3A_164 : vector<16xi32>
      %mul3A_166 = arith.constant 16 : i32
      %mul3A_167 = arith.muli %scan3A_52, %mul3A_166 : i32
      %add3A_168 = arith.constant 10240 : i32
      %add3A_169 = arith.addi %add3A_168, %mul3A_167 : i32
      %swap3A_170 = arith.index_cast %add3A_169 : i32 to index
      %swap3A_171 = tpu.vector_load %arg6[%swap3A_170] {strides = array<i32>} : memref<13312xi32, #tpu.memory_space<vmem>>, vector<16xi32>,
      tpu.vector_store %arg6[%swap3A_170], %add3A_165 {strides = array<i32>} : memref<13312xi32, #tpu.memory_space<vmem>>, vector<16xi32>,
      %mul3A_172 = arith.constant 16 : i32
      %mul3A_173 = arith.muli %scan3A_52, %mul3A_172 : i32
      %get3A_174 = arith.constant 21 : i32
      %get3A_175 = arith.index_cast %get3A_174 : i32 to index
      %get3A_176 = arith.index_cast %mul3A_173 : i32 to index
      %get3A_177 = tpu.vector_load %arg5[%get3A_175, %get3A_176] {strides = array<i32>} : memref<26x512xi32, #tpu.memory_space<vmem>>, vector<16xi32>,
      %add3A_178 = arith.constant 2100000 : i32
      %add3A_179 = vector.broadcast %add3A_178 : i32 to vector<16xi32>
      %add3A_180 = arith.addi %get3A_177, %add3A_179 : vector<16xi32>
      %mul3A_181 = arith.constant 16 : i32
      %mul3A_182 = arith.muli %scan3A_52, %mul3A_181 : i32
      %add3A_183 = arith.constant 10752 : i32
      %add3A_184 = arith.addi %add3A_183, %mul3A_182 : i32
      %swap3A_185 = arith.index_cast %add3A_184 : i32 to index
      %swap3A_186 = tpu.vector_load %arg6[%swap3A_185] {strides = array<i32>} : memref<13312xi32, #tpu.memory_space<vmem>>, vector<16xi32>,
      tpu.vector_store %arg6[%swap3A_185], %add3A_180 {strides = array<i32>} : memref<13312xi32, #tpu.memory_space<vmem>>, vector<16xi32>,
      %mul3A_187 = arith.constant 16 : i32
      %mul3A_188 = arith.muli %scan3A_52, %mul3A_187 : i32
      %get3A_189 = arith.constant 22 : i32
      %get3A_190 = arith.index_cast %get3A_189 : i32 to index
      %get3A_191 = arith.index_cast %mul3A_188 : i32 to index
      %get3A_192 = tpu.vector_load %arg5[%get3A_190, %get3A_191] {strides = array<i32>} : memref<26x512xi32, #tpu.memory_space<vmem>>, vector<16xi32>,
      %add3A_193 = arith.constant 2200000 : i32
      %add3A_194 = vector.broadcast %add3A_193 : i32 to vector<16xi32>
      %add3A_195 = arith.addi %get3A_192, %add3A_194 : vector<16xi32>
      %mul3A_196 = arith.constant 16 : i32
      %mul3A_197 = arith.muli %scan3A_52, %mul3A_196 : i32
      %add3A_198 = arith.constant 11264 : i32
      %add3A_199 = arith.addi %add3A_198, %mul3A_197 : i32
      %swap3A_200 = arith.index_cast %add3A_199 : i32 to index
      %swap3A_201 = tpu.vector_load %arg6[%swap3A_200] {strides = array<i32>} : memref<13312xi32, #tpu.memory_space<vmem>>, vector<16xi32>,
      tpu.vector_store %arg6[%swap3A_200], %add3A_195 {strides = array<i32>} : memref<13312xi32, #tpu.memory_space<vmem>>, vector<16xi32>,
      %mul3A_202 = arith.constant 16 : i32
      %mul3A_203 = arith.muli %scan3A_52, %mul3A_202 : i32
      %get3A_204 = arith.constant 23 : i32
      %get3A_205 = arith.index_cast %get3A_204 : i32 to index
      %get3A_206 = arith.index_cast %mul3A_203 : i32 to index
      %get3A_207 = tpu.vector_load %arg5[%get3A_205, %get3A_206] {strides = array<i32>} : memref<26x512xi32, #tpu.memory_space<vmem>>, vector<16xi32>,
      %add3A_208 = arith.constant 2300000 : i32
      %add3A_209 = vector.broadcast %add3A_208 : i32 to vector<16xi32>
      %add3A_210 = arith.addi %get3A_207, %add3A_209 : vector<16xi32>
      %mul3A_211 = arith.constant 16 : i32
      %mul3A_212 = arith.muli %scan3A_52, %mul3A_211 : i32
      %add3A_213 = arith.constant 11776 : i32
      %add3A_214 = arith.addi %add3A_213, %mul3A_212 : i32
      %swap3A_215 = arith.index_cast %add3A_214 : i32 to index
      %swap3A_216 = tpu.vector_load %arg6[%swap3A_215] {strides = array<i32>} : memref<13312xi32, #tpu.memory_space<vmem>>, vector<16xi32>,
      tpu.vector_store %arg6[%swap3A_215], %add3A_210 {strides = array<i32>} : memref<13312xi32, #tpu.memory_space<vmem>>, vector<16xi32>,
      %mul3A_217 = arith.constant 16 : i32
      %mul3A_218 = arith.muli %scan3A_52, %mul3A_217 : i32
      %get3A_219 = arith.constant 24 : i32
      %get3A_220 = arith.index_cast %get3A_219 : i32 to index
      %get3A_221 = arith.index_cast %mul3A_218 : i32 to index
      %get3A_222 = tpu.vector_load %arg5[%get3A_220, %get3A_221] {strides = array<i32>} : memref<26x512xi32, #tpu.memory_space<vmem>>, vector<16xi32>,
      %add3A_223 = arith.constant 2400000 : i32
      %add3A_224 = vector.broadcast %add3A_223 : i32 to vector<16xi32>
      %add3A_225 = arith.addi %get3A_222, %add3A_224 : vector<16xi32>
      %mul3A_226 = arith.constant 16 : i32
      %mul3A_227 = arith.muli %scan3A_52, %mul3A_226 : i32
      %add3A_228 = arith.constant 12288 : i32
      %add3A_229 = arith.addi %add3A_228, %mul3A_227 : i32
      %swap3A_230 = arith.index_cast %add3A_229 : i32 to index
      %swap3A_231 = tpu.vector_load %arg6[%swap3A_230] {strides = array<i32>} : memref<13312xi32, #tpu.memory_space<vmem>>, vector<16xi32>,
      tpu.vector_store %arg6[%swap3A_230], %add3A_225 {strides = array<i32>} : memref<13312xi32, #tpu.memory_space<vmem>>, vector<16xi32>,
      %mul3A_232 = arith.constant 16 : i32
      %mul3A_233 = arith.muli %scan3A_52, %mul3A_232 : i32
      %get3A_234 = arith.constant 25 : i32
      %get3A_235 = arith.index_cast %get3A_234 : i32 to index
      %get3A_236 = arith.index_cast %mul3A_233 : i32 to index
      %get3A_237 = tpu.vector_load %arg5[%get3A_235, %get3A_236] {strides = array<i32>} : memref<26x512xi32, #tpu.memory_space<vmem>>, vector<16xi32>,
      %add3A_238 = arith.constant 2500000 : i32
      %add3A_239 = vector.broadcast %add3A_238 : i32 to vector<16xi32>
      %add3A_240 = arith.addi %get3A_237, %add3A_239 : vector<16xi32>
      %mul3A_241 = arith.constant 16 : i32
      %mul3A_242 = arith.muli %scan3A_52, %mul3A_241 : i32
      %add3A_243 = arith.constant 12800 : i32
      %add3A_244 = arith.addi %add3A_243, %mul3A_242 : i32
      %swap3A_245 = arith.index_cast %add3A_244 : i32 to index
      %swap3A_246 = tpu.vector_load %arg6[%swap3A_245] {strides = array<i32>} : memref<13312xi32, #tpu.memory_space<vmem>>, vector<16xi32>,
      tpu.vector_store %arg6[%swap3A_245], %add3A_240 {strides = array<i32>} : memref<13312xi32, #tpu.memory_space<vmem>>, vector<16xi32>,
      %scan3A_247 = arith.constant 0 : i32
      scf.yield %scan3A_247 : i32
    }
    %scan3A_20 = arith.constant 32 : i32
    %dma_start3A_21 = arith.constant 6656 : i32
    %dma_start3A_22 = tpu.memref_slice %arg7[%dma_start3A_21] : memref<13312xf32, #tpu.memory_space<vmem>> -> memref<6656xf32, #tpu.memory_space<vmem>>
    %dma_start3A_23 = arith.constant 6656 : i32
    %dma_start3A_24 = tpu.memref_slice %arg6[%dma_start3A_23] : memref<13312xi32, #tpu.memory_space<vmem>> -> memref<6656xi32, #tpu.memory_space<vmem>>
    %dma_start3A_25 = arith.constant 0 : i32
    %dma_start3A_26 = tpu.memref_slice %arg2[%dma_start3A_25] : memref<2600000xf32, #tpu.memory_space<hbm>> -> memref<2600000xf32, #tpu.memory_space<hbm>>
    tpu.enqueue_indirect_dma source(%dma_start3A_26 : memref<2600000xf32, #tpu.memory_space<hbm>>) target(%dma_start3A_22 : memref<6656xf32, #tpu.memory_space<vmem>>) offsets(%dma_start3A_24 : memref<6656xi32, #tpu.memory_space<vmem>>) semaphore(%arg11 : memref<!tpu.dma_semaphore, #tpu.memory_space<semaphore_mem>>)
    %dma_wait3A = arith.constant 0 : i32
    %dma_wait3A_27 = tpu.memref_slice %arg7[%dma_wait3A] : memref<13312xf32, #tpu.memory_space<vmem>> -> memref<6656xf32, #tpu.memory_space<vmem>>
    %dma_wait3A_28 = arith.constant 0 : i32
    %dma_wait3A_29 = tpu.memref_slice %arg6[%dma_wait3A_28] : memref<13312xi32, #tpu.memory_space<vmem>> -> memref<6656xi32, #tpu.memory_space<vmem>>
    %dma_wait3A_30 = arith.constant 0 : i32
    %dma_wait3A_31 = tpu.memref_slice %arg2[%dma_wait3A_30] : memref<2600000xf32, #tpu.memory_space<hbm>> -> memref<2600000xf32, #tpu.memory_space<hbm>>
    tpu.wait_indirect_dma semaphore(%arg10 : memref<!tpu.dma_semaphore, #tpu.memory_space<semaphore_mem>>) src(%dma_wait3A_31 : memref<2600000xf32, #tpu.memory_space<hbm>>) dst(%dma_wait3A_27 : memref<6656xf32, #tpu.memory_space<vmem>>)
    %scan3A_32 = arith.constant 0 : i32
    %scan3A_33 = arith.constant 0 : i32
    %scan3A_34 = arith.constant 32 : i32
    %scan3A_35 = arith.addi %scan3A_33, %scan3A_34 : i32
    %scan3A_36 = arith.constant 1 : i32
    %scan3A_37 = scf.for %scan3A_52 = %scan3A_33 to %scan3A_35 step %scan3A_36 iter_args(%scan3A_53 = %scan3A_32) -> (i32)  : i32 {
      %mul3A_54 = arith.constant 16 : i32
      %mul3A_55 = arith.muli %scan3A_52, %mul3A_54 : i32
      %get3A = arith.index_cast %mul3A_55 : i32 to index
      %get3A_56 = tpu.vector_load %arg7[%get3A] {strides = array<i32>} : memref<13312xf32, #tpu.memory_space<vmem>>, vector<16xf32>,
      %mul3A_57 = arith.constant 16 : i32
      %mul3A_58 = arith.muli %scan3A_52, %mul3A_57 : i32
      %add3A_59 = arith.constant 512 : i32
      %add3A_60 = arith.addi %add3A_59, %mul3A_58 : i32
      %get3A_61 = arith.index_cast %add3A_60 : i32 to index
      %get3A_62 = tpu.vector_load %arg7[%get3A_61] {strides = array<i32>} : memref<13312xf32, #tpu.memory_space<vmem>>, vector<16xf32>,
      %add3A_63 = arith.addf %get3A_56, %get3A_62 : vector<16xf32>
      %mul3A_64 = arith.constant 16 : i32
      %mul3A_65 = arith.muli %scan3A_52, %mul3A_64 : i32
      %add3A_66 = arith.constant 1024 : i32
      %add3A_67 = arith.addi %add3A_66, %mul3A_65 : i32
      %get3A_68 = arith.index_cast %add3A_67 : i32 to index
      %get3A_69 = tpu.vector_load %arg7[%get3A_68] {strides = array<i32>} : memref<13312xf32, #tpu.memory_space<vmem>>, vector<16xf32>,
      %add3A_70 = arith.addf %add3A_63, %get3A_69 : vector<16xf32>
      %mul3A_71 = arith.constant 16 : i32
      %mul3A_72 = arith.muli %scan3A_52, %mul3A_71 : i32
      %add3A_73 = arith.constant 1536 : i32
      %add3A_74 = arith.addi %add3A_73, %mul3A_72 : i32
      %get3A_75 = arith.index_cast %add3A_74 : i32 to index
      %get3A_76 = tpu.vector_load %arg7[%get3A_75] {strides = array<i32>} : memref<13312xf32, #tpu.memory_space<vmem>>, vector<16xf32>,
      %add3A_77 = arith.addf %add3A_70, %get3A_76 : vector<16xf32>
      %mul3A_78 = arith.constant 16 : i32
      %mul3A_79 = arith.muli %scan3A_52, %mul3A_78 : i32
      %add3A_80 = arith.constant 2048 : i32
      %add3A_81 = arith.addi %add3A_80, %mul3A_79 : i32
      %get3A_82 = arith.index_cast %add3A_81 : i32 to index
      %get3A_83 = tpu.vector_load %arg7[%get3A_82] {strides = array<i32>} : memref<13312xf32, #tpu.memory_space<vmem>>, vector<16xf32>,
      %add3A_84 = arith.addf %add3A_77, %get3A_83 : vector<16xf32>
      %mul3A_85 = arith.constant 16 : i32
      %mul3A_86 = arith.muli %scan3A_52, %mul3A_85 : i32
      %add3A_87 = arith.constant 2560 : i32
      %add3A_88 = arith.addi %add3A_87, %mul3A_86 : i32
      %get3A_89 = arith.index_cast %add3A_88 : i32 to index
      %get3A_90 = tpu.vector_load %arg7[%get3A_89] {strides = array<i32>} : memref<13312xf32, #tpu.memory_space<vmem>>, vector<16xf32>,
      %add3A_91 = arith.addf %add3A_84, %get3A_90 : vector<16xf32>
      %mul3A_92 = arith.constant 16 : i32
      %mul3A_93 = arith.muli %scan3A_52, %mul3A_92 : i32
      %add3A_94 = arith.constant 3072 : i32
      %add3A_95 = arith.addi %add3A_94, %mul3A_93 : i32
      %get3A_96 = arith.index_cast %add3A_95 : i32 to index
      %get3A_97 = tpu.vector_load %arg7[%get3A_96] {strides = array<i32>} : memref<13312xf32, #tpu.memory_space<vmem>>, vector<16xf32>,
      %add3A_98 = arith.addf %add3A_91, %get3A_97 : vector<16xf32>
      %mul3A_99 = arith.constant 16 : i32
      %mul3A_100 = arith.muli %scan3A_52, %mul3A_99 : i32
      %add3A_101 = arith.constant 3584 : i32
      %add3A_102 = arith.addi %add3A_101, %mul3A_100 : i32
      %get3A_103 = arith.index_cast %add3A_102 : i32 to index
      %get3A_104 = tpu.vector_load %arg7[%get3A_103] {strides = array<i32>} : memref<13312xf32, #tpu.memory_space<vmem>>, vector<16xf32>,
      %add3A_105 = arith.addf %add3A_98, %get3A_104 : vector<16xf32>
      %mul3A_106 = arith.constant 16 : i32
      %mul3A_107 = arith.muli %scan3A_52, %mul3A_106 : i32
      %add3A_108 = arith.constant 4096 : i32
      %add3A_109 = arith.addi %add3A_108, %mul3A_107 : i32
      %get3A_110 = arith.index_cast %add3A_109 : i32 to index
      %get3A_111 = tpu.vector_load %arg7[%get3A_110] {strides = array<i32>} : memref<13312xf32, #tpu.memory_space<vmem>>, vector<16xf32>,
      %add3A_112 = arith.addf %add3A_105, %get3A_111 : vector<16xf32>
      %mul3A_113 = arith.constant 16 : i32
      %mul3A_114 = arith.muli %scan3A_52, %mul3A_113 : i32
      %add3A_115 = arith.constant 4608 : i32
      %add3A_116 = arith.addi %add3A_115, %mul3A_114 : i32
      %get3A_117 = arith.index_cast %add3A_116 : i32 to index
      %get3A_118 = tpu.vector_load %arg7[%get3A_117] {strides = array<i32>} : memref<13312xf32, #tpu.memory_space<vmem>>, vector<16xf32>,
      %add3A_119 = arith.addf %add3A_112, %get3A_118 : vector<16xf32>
      %mul3A_120 = arith.constant 16 : i32
      %mul3A_121 = arith.muli %scan3A_52, %mul3A_120 : i32
      %add3A_122 = arith.constant 5120 : i32
      %add3A_123 = arith.addi %add3A_122, %mul3A_121 : i32
      %get3A_124 = arith.index_cast %add3A_123 : i32 to index
      %get3A_125 = tpu.vector_load %arg7[%get3A_124] {strides = array<i32>} : memref<13312xf32, #tpu.memory_space<vmem>>, vector<16xf32>,
      %add3A_126 = arith.addf %add3A_119, %get3A_125 : vector<16xf32>
      %mul3A_127 = arith.constant 16 : i32
      %mul3A_128 = arith.muli %scan3A_52, %mul3A_127 : i32
      %add3A_129 = arith.constant 5632 : i32
      %add3A_130 = arith.addi %add3A_129, %mul3A_128 : i32
      %get3A_131 = arith.index_cast %add3A_130 : i32 to index
      %get3A_132 = tpu.vector_load %arg7[%get3A_131] {strides = array<i32>} : memref<13312xf32, #tpu.memory_space<vmem>>, vector<16xf32>,
      %add3A_133 = arith.addf %add3A_126, %get3A_132 : vector<16xf32>
      %mul3A_134 = arith.constant 16 : i32
      %mul3A_135 = arith.muli %scan3A_52, %mul3A_134 : i32
      %add3A_136 = arith.constant 6144 : i32
      %add3A_137 = arith.addi %add3A_136, %mul3A_135 : i32
      %get3A_138 = arith.index_cast %add3A_137 : i32 to index
      %get3A_139 = tpu.vector_load %arg7[%get3A_138] {strides = array<i32>} : memref<13312xf32, #tpu.memory_space<vmem>>, vector<16xf32>,
      %add3A_140 = arith.addf %add3A_133, %get3A_139 : vector<16xf32>
      %mul3A_141 = arith.constant 16 : i32
      %mul3A_142 = arith.muli %scan3A_52, %mul3A_141 : i32
      %swap3A = arith.index_cast %mul3A_142 : i32 to index
      %swap3A_143 = tpu.vector_load %arg8[%swap3A] {strides = array<i32>} : memref<512xf32, #tpu.memory_space<vmem>>, vector<16xf32>,
      tpu.vector_store %arg8[%swap3A], %add3A_140 {strides = array<i32>} : memref<512xf32, #tpu.memory_space<vmem>>, vector<16xf32>,
      %scan3A_144 = arith.constant 0 : i32
      scf.yield %scan3A_144 : i32
    }
    %scan3A_38 = arith.constant 32 : i32
    %dma_wait3A_39 = arith.constant 6656 : i32
    %dma_wait3A_40 = tpu.memref_slice %arg7[%dma_wait3A_39] : memref<13312xf32, #tpu.memory_space<vmem>> -> memref<6656xf32, #tpu.memory_space<vmem>>
    %dma_wait3A_41 = arith.constant 6656 : i32
    %dma_wait3A_42 = tpu.memref_slice %arg6[%dma_wait3A_41] : memref<13312xi32, #tpu.memory_space<vmem>> -> memref<6656xi32, #tpu.memory_space<vmem>>
    %dma_wait3A_43 = arith.constant 0 : i32
    %dma_wait3A_44 = tpu.memref_slice %arg2[%dma_wait3A_43] : memref<2600000xf32, #tpu.memory_space<hbm>> -> memref<2600000xf32, #tpu.memory_space<hbm>>
    tpu.wait_indirect_dma semaphore(%arg11 : memref<!tpu.dma_semaphore, #tpu.memory_space<semaphore_mem>>) src(%dma_wait3A_44 : memref<2600000xf32, #tpu.memory_space<hbm>>) dst(%dma_wait3A_40 : memref<6656xf32, #tpu.memory_space<vmem>>)
    %scan3A_45 = arith.constant 0 : i32
    %scan3A_46 = arith.constant 0 : i32
    %scan3A_47 = arith.constant 32 : i32
    %scan3A_48 = arith.addi %scan3A_46, %scan3A_47 : i32
    %scan3A_49 = arith.constant 1 : i32
    %scan3A_50 = scf.for %scan3A_52 = %scan3A_46 to %scan3A_48 step %scan3A_49 iter_args(%scan3A_53 = %scan3A_45) -> (i32)  : i32 {
      %mul3A_54 = arith.constant 16 : i32
      %mul3A_55 = arith.muli %scan3A_52, %mul3A_54 : i32
      %get3A = arith.index_cast %mul3A_55 : i32 to index
      %get3A_56 = tpu.vector_load %arg8[%get3A] {strides = array<i32>} : memref<512xf32, #tpu.memory_space<vmem>>, vector<16xf32>,
      %mul3A_57 = arith.constant 16 : i32
      %mul3A_58 = arith.muli %scan3A_52, %mul3A_57 : i32
      %add3A_59 = arith.constant 6656 : i32
      %add3A_60 = arith.addi %add3A_59, %mul3A_58 : i32
      %get3A_61 = arith.index_cast %add3A_60 : i32 to index
      %get3A_62 = tpu.vector_load %arg7[%get3A_61] {strides = array<i32>} : memref<13312xf32, #tpu.memory_space<vmem>>, vector<16xf32>,
      %add3A_63 = arith.addf %get3A_56, %get3A_62 : vector<16xf32>
      %mul3A_64 = arith.constant 16 : i32
      %mul3A_65 = arith.muli %scan3A_52, %mul3A_64 : i32
      %add3A_66 = arith.constant 7168 : i32
      %add3A_67 = arith.addi %add3A_66, %mul3A_65 : i32
      %get3A_68 = arith.index_cast %add3A_67 : i32 to index
      %get3A_69 = tpu.vector_load %arg7[%get3A_68] {strides = array<i32>} : memref<13312xf32, #tpu.memory_space<vmem>>, vector<16xf32>,
      %add3A_70 = arith.addf %add3A_63, %get3A_69 : vector<16xf32>
      %mul3A_71 = arith.constant 16 : i32
      %mul3A_72 = arith.muli %scan3A_52, %mul3A_71 : i32
      %add3A_73 = arith.constant 7680 : i32
      %add3A_74 = arith.addi %add3A_73, %mul3A_72 : i32
      %get3A_75 = arith.index_cast %add3A_74 : i32 to index
      %get3A_76 = tpu.vector_load %arg7[%get3A_75] {strides = array<i32>} : memref<13312xf32, #tpu.memory_space<vmem>>, vector<16xf32>,
      %add3A_77 = arith.addf %add3A_70, %get3A_76 : vector<16xf32>
      %mul3A_78 = arith.constant 16 : i32
      %mul3A_79 = arith.muli %scan3A_52, %mul3A_78 : i32
      %add3A_80 = arith.constant 8192 : i32
      %add3A_81 = arith.addi %add3A_80, %mul3A_79 : i32
      %get3A_82 = arith.index_cast %add3A_81 : i32 to index
      %get3A_83 = tpu.vector_load %arg7[%get3A_82] {strides = array<i32>} : memref<13312xf32, #tpu.memory_space<vmem>>, vector<16xf32>,
      %add3A_84 = arith.addf %add3A_77, %get3A_83 : vector<16xf32>
      %mul3A_85 = arith.constant 16 : i32
      %mul3A_86 = arith.muli %scan3A_52, %mul3A_85 : i32
      %add3A_87 = arith.constant 8704 : i32
      %add3A_88 = arith.addi %add3A_87, %mul3A_86 : i32
      %get3A_89 = arith.index_cast %add3A_88 : i32 to index
      %get3A_90 = tpu.vector_load %arg7[%get3A_89] {strides = array<i32>} : memref<13312xf32, #tpu.memory_space<vmem>>, vector<16xf32>,
      %add3A_91 = arith.addf %add3A_84, %get3A_90 : vector<16xf32>
      %mul3A_92 = arith.constant 16 : i32
      %mul3A_93 = arith.muli %scan3A_52, %mul3A_92 : i32
      %add3A_94 = arith.constant 9216 : i32
      %add3A_95 = arith.addi %add3A_94, %mul3A_93 : i32
      %get3A_96 = arith.index_cast %add3A_95 : i32 to index
      %get3A_97 = tpu.vector_load %arg7[%get3A_96] {strides = array<i32>} : memref<13312xf32, #tpu.memory_space<vmem>>, vector<16xf32>,
      %add3A_98 = arith.addf %add3A_91, %get3A_97 : vector<16xf32>
      %mul3A_99 = arith.constant 16 : i32
      %mul3A_100 = arith.muli %scan3A_52, %mul3A_99 : i32
      %add3A_101 = arith.constant 9728 : i32
      %add3A_102 = arith.addi %add3A_101, %mul3A_100 : i32
      %get3A_103 = arith.index_cast %add3A_102 : i32 to index
      %get3A_104 = tpu.vector_load %arg7[%get3A_103] {strides = array<i32>} : memref<13312xf32, #tpu.memory_space<vmem>>, vector<16xf32>,
      %add3A_105 = arith.addf %add3A_98, %get3A_104 : vector<16xf32>
      %mul3A_106 = arith.constant 16 : i32
      %mul3A_107 = arith.muli %scan3A_52, %mul3A_106 : i32
      %add3A_108 = arith.constant 10240 : i32
      %add3A_109 = arith.addi %add3A_108, %mul3A_107 : i32
      %get3A_110 = arith.index_cast %add3A_109 : i32 to index
      %get3A_111 = tpu.vector_load %arg7[%get3A_110] {strides = array<i32>} : memref<13312xf32, #tpu.memory_space<vmem>>, vector<16xf32>,
      %add3A_112 = arith.addf %add3A_105, %get3A_111 : vector<16xf32>
      %mul3A_113 = arith.constant 16 : i32
      %mul3A_114 = arith.muli %scan3A_52, %mul3A_113 : i32
      %add3A_115 = arith.constant 10752 : i32
      %add3A_116 = arith.addi %add3A_115, %mul3A_114 : i32
      %get3A_117 = arith.index_cast %add3A_116 : i32 to index
      %get3A_118 = tpu.vector_load %arg7[%get3A_117] {strides = array<i32>} : memref<13312xf32, #tpu.memory_space<vmem>>, vector<16xf32>,
      %add3A_119 = arith.addf %add3A_112, %get3A_118 : vector<16xf32>
      %mul3A_120 = arith.constant 16 : i32
      %mul3A_121 = arith.muli %scan3A_52, %mul3A_120 : i32
      %add3A_122 = arith.constant 11264 : i32
      %add3A_123 = arith.addi %add3A_122, %mul3A_121 : i32
      %get3A_124 = arith.index_cast %add3A_123 : i32 to index
      %get3A_125 = tpu.vector_load %arg7[%get3A_124] {strides = array<i32>} : memref<13312xf32, #tpu.memory_space<vmem>>, vector<16xf32>,
      %add3A_126 = arith.addf %add3A_119, %get3A_125 : vector<16xf32>
      %mul3A_127 = arith.constant 16 : i32
      %mul3A_128 = arith.muli %scan3A_52, %mul3A_127 : i32
      %add3A_129 = arith.constant 11776 : i32
      %add3A_130 = arith.addi %add3A_129, %mul3A_128 : i32
      %get3A_131 = arith.index_cast %add3A_130 : i32 to index
      %get3A_132 = tpu.vector_load %arg7[%get3A_131] {strides = array<i32>} : memref<13312xf32, #tpu.memory_space<vmem>>, vector<16xf32>,
      %add3A_133 = arith.addf %add3A_126, %get3A_132 : vector<16xf32>
      %mul3A_134 = arith.constant 16 : i32
      %mul3A_135 = arith.muli %scan3A_52, %mul3A_134 : i32
      %add3A_136 = arith.constant 12288 : i32
      %add3A_137 = arith.addi %add3A_136, %mul3A_135 : i32
      %get3A_138 = arith.index_cast %add3A_137 : i32 to index
      %get3A_139 = tpu.vector_load %arg7[%get3A_138] {strides = array<i32>} : memref<13312xf32, #tpu.memory_space<vmem>>, vector<16xf32>,
      %add3A_140 = arith.addf %add3A_133, %get3A_139 : vector<16xf32>
      %mul3A_141 = arith.constant 16 : i32
      %mul3A_142 = arith.muli %scan3A_52, %mul3A_141 : i32
      %add3A_143 = arith.constant 12800 : i32
      %add3A_144 = arith.addi %add3A_143, %mul3A_142 : i32
      %get3A_145 = arith.index_cast %add3A_144 : i32 to index
      %get3A_146 = tpu.vector_load %arg7[%get3A_145] {strides = array<i32>} : memref<13312xf32, #tpu.memory_space<vmem>>, vector<16xf32>,
      %add3A_147 = arith.addf %add3A_140, %get3A_146 : vector<16xf32>
      %neg3A = arith.constant 0.000000e+00 : f32
      %neg3A_148 = vector.broadcast %neg3A : f32 to vector<16xf32>
      %neg3A_149 = arith.subf %neg3A_148, %add3A_147 : vector<16xf32>
      %exp3A = math.exp %neg3A_149 : vector<16xf32>
      %add3A_150 = arith.constant 1.000000e+00 : f32
      %add3A_151 = vector.broadcast %add3A_150 : f32 to vector<16xf32>
      %add3A_152 = arith.addf %add3A_151, %exp3A : vector<16xf32>
      %div3A = arith.constant 1.000000e+00 : f32
      %div3A_153 = vector.broadcast %div3A : f32 to vector<16xf32>
      %div3A_154 = arith.divf %div3A_153, %add3A_152 : vector<16xf32>
      %mul3A_155 = arith.constant 16 : i32
      %mul3A_156 = arith.muli %scan3A_52, %mul3A_155 : i32
      %swap3A = arith.index_cast %mul3A_156 : i32 to index
      %swap3A_157 = tpu.vector_load %arg8[%swap3A] {strides = array<i32>} : memref<512xf32, #tpu.memory_space<vmem>>, vector<16xf32>,
      tpu.vector_store %arg8[%swap3A], %div3A_154 {strides = array<i32>} : memref<512xf32, #tpu.memory_space<vmem>>, vector<16xf32>,
      %scan3A_158 = arith.constant 0 : i32
      scf.yield %scan3A_158 : i32
    }
    %scan3A_51 = arith.constant 32 : i32
    "tpu.region"() ({
      %run_scoped3A = tpu.sem_alloc : memref<!tpu.dma_semaphore, #tpu.memory_space<semaphore_mem>>
      %dma_start3A_52 = tpu.memref_slice %arg4[%mul3A_2] : memref<16384xf32, #tpu.memory_space<hbm>> -> memref<512xf32, #tpu.memory_space<hbm>>
      %dma_start3A_53 = tpu.memref_slice %arg4[%mul3A_2] : memref<16384xf32, #tpu.memory_space<hbm>> -> memref<512xf32, #tpu.memory_space<hbm>>
      tpu.enqueue_dma source(%arg8 : memref<512xf32, #tpu.memory_space<vmem>>) target(%dma_start3A_53 : memref<512xf32, #tpu.memory_space<hbm>>) target_semaphore(%run_scoped3A : memref<!tpu.dma_semaphore, #tpu.memory_space<semaphore_mem>>)
      %dma_wait3A_54 = tpu.memref_slice %arg4[%mul3A_2] : memref<16384xf32, #tpu.memory_space<hbm>> -> memref<512xf32, #tpu.memory_space<hbm>>
      %dma_wait3A_55 = tpu.memref_slice %arg4[%mul3A_2] : memref<16384xf32, #tpu.memory_space<hbm>> -> memref<512xf32, #tpu.memory_space<hbm>>
      tpu.wait_dma2 semaphore(%run_scoped3A : memref<!tpu.dma_semaphore, #tpu.memory_space<semaphore_mem>>) src(%arg8 : memref<512xf32, #tpu.memory_space<vmem>>) dst(%dma_wait3A_55 : memref<512xf32, #tpu.memory_space<hbm>>)
      tpu.yield
    }) : () -> ()
    return
  }
}

</mosaic_0001>

<sc_bundles>
// kernel: kernel.3.cloned.1.call-start
scs
__scs_entry_jumppad:
0x0: {  	(pc) =	sbr.rel $0x88, $3  }
0x1: {  	(tag) =	ssettag $0x0;
	lr =	simm.s32 $0x1  }
0x2: {  	[smem:$0x3F9F] =	sst lr;
	_ =	strace $0xD0000000  }
0x3: {  	_ = 	snop  }
0x4: {  	_ = 	snop  }
0x5: {  	_ = 	snop  }
0x6: {  	_ = 	snop  }
0x7: {  	_ = 	snop  }
__scs_overlays_trampoline_lowered:
0x8: {  	[smem:$0x3FAE] =	sst s0  }
0x9: {  	[smem:$0x3FAF] =	sst s1  }
0xa: {  	[smem:$0x3FB0] =	sst s2  }
0xb: {  	[smem:$0x3FB1] =	sst s3  }
0xc: {  	[smem:$0x3FB2] =	sst s4  }
0xd: {  	[smem:$0x3FB3] =	sst s5  }
0xe: {  	[smem:$0x3FB4] =	sst s6  }
0xf: {  	[smem:$0x3FB5] =	sst s7  }
0x10: {  	[smem:$0x3FB6] =	sst s8  }
0x11: {  	[smem:$0x3FB7] =	sst s9;
	s0 =	simm.s32 @!p0 $0x0  }
0x12: {  	s1 =	sld [smem:$0x3F9D];
	s0 =	simm.s32 @p0 $0x1  }
0x13: {  	[smem:$0x3FB8] =	sst s0;
	s0 =	simm.s32 @!p1 $0x0  }
0x14: {  	s2 =	sld [smem:$0x3F9C];
	s0 =	simm.s32 @p1 $0x1  }
0x15: {  	[smem:$0x3FB9] =	sst s0;
	s0 =	simm.s32 @!p2 $0x0  }
0x16: {  	s3 =	sld [smem:$0x3FDB];
	s0 =	simm.s32 @p2 $0x1  }
0x17: {  	s4 =	simm.s32 $0x1BF5;
	[smem:$0x3FBB] =	sst s0  }
0x18: {  	s0 =	sld [smem:$0x3F9E];
	_ =	swait.ge [sflag:s4], $0x0  }
0x19: {  	s7 =	sld [smem:$0x3F9F]  }
0x1a: {  	s8 =	sadd.s32 $0xFFFFE003, lr  }
0x1b: {  	s9 =	sadd.s32 $0xFFFFFEF7, lr;
	s5 =	simm.s32 $0xFFFFFFFF;
	p2 =	slt.u32 s8, $0xFFFFF086  }
0x1c: {  	p1 =	slt.u32 s9, $0xF7A;
	s5 =	simm.s32 @!p2 $0x0  }
0x1d: {  	s5 =	simm.s32 @p1 $0x1;
	p0 =	seq.s32 s7, s2  }
0x1e: {  	s7 =	smul.u32 @!p0 $0xF7A, s2;
	p2 =	seq.s32 @!p0 s5, $0x0  }
0x1f: {  	s9 =	smul.u32 $0xF7A, s1;
	s8 =	simm.s32 @!p0 $0x1BF5;
	p2 =	por !p2, p0  }
0x20: {  	[sflag:s8] =	ssyncset.s32 @!p0 $0xFFFFF086;
	s6 =	sadd.s32 @!p0 s3, s7;
	s7 =	simm.s32 @!p0 $0x108  }
0x21: {  	s3 =	sadd.s32 s3, s9;
	s6 =	sadd.s32 @!p0 $0x88, s6;
	s7 =	simm.s32 @p2 $0x1082  }
0x22: {  	[simem:s7], [sflag:s8] =	dma.local @!p0 [hbm:s6], $0xF7A  }
0x23: {  	s9 =	sor.u32 $0xD0000000, s2;
	s6 =	simm.s32 $0x108;
	_ =	swait.ge @!p0 [sflag:s8], $0x0  }
0x24: {  	s3 =	sadd.s32 $0x88, s3;
	s6 =	simm.s32 @!p1 $0x1082;
	[sflag:s4] =	ssyncset.s32 $0xFFFFF086  }
0x25: {  	[simem:s6], [sflag:s4] =	dma.local [hbm:s3], $0xF7A  }
0x26: {  	[smem:$0x3F9F] =	sst s1;
	(tag) =	ssettag s2;
	_ =	strace s9  }
0x27: {  	s1 =	sld [smem:$0x3FAF]  }
0x28: {  	s2 =	sld [smem:$0x3FB0]  }
0x29: {  	s4 =	sld [smem:$0x3FB2]  }
0x2a: {  	p0 =	seq.s32 s5, $0x0;
	s5 =	sld [smem:$0x3FB3]  }
0x2b: {  	s6 =	sld [smem:$0x3FB4]  }
0x2c: {  	s7 =	sld [smem:$0x3FB5]  }
0x2d: {  	s3 =	simm.s32 $0x108;
	s8 =	sld [smem:$0x3FB6]  }
0x2e: {  	s3 =	simm.s32 @!p0 $0x1082;
	s9 =	sld [smem:$0x3FB7]  }
0x2f: {  	lr =	sadd.s32 s0, s3;
	s0 =	sld [smem:$0x3FAE]  }
0x30: {  	s3 =	sld [smem:$0x3FB1]  }
0x31: {  	[smem:$0x3FBA] =	sst s10  }
0x32: {  	s10 =	sld [smem:$0x3FB8];
	_ =	sdelay $0x3  }
0x33: {  	p0 =	seq.s32 s10, $0x1;
	s10 =	sld [smem:$0x3FBA];
	_ =	sdelay $0x3  }
0x34: {  	[smem:$0x3FBA] =	sst s10  }
0x35: {  	s10 =	sld [smem:$0x3FB9];
	_ =	sdelay $0x3  }
0x36: {  	p1 =	seq.s32 s10, $0x1;
	s10 =	sld [smem:$0x3FBA];
	_ =	sdelay $0x3  }
0x37: {  	[smem:$0x3FBA] =	sst s10  }
0x38: {  	s10 =	sld [smem:$0x3FBB]  }
0x39: {  	_ = 	snop;
	(pc) =	sbr.ind lr, $3  }
0x3a: {  	_ = 	snop  }
0x3b: {  	_ = 	snop  }
0x3c: {  	p2 =	seq.s32 s10, $0x1;
	s10 =	sld [smem:$0x3FBA]  }
0x3d: {  	_ =	shalt  }
0x3e: {  	_ =	shalt  }
0x3f: {  	_ =	shalt  }
0x40: {  	_ =	shalt  }
0x41: {  	_ =	shalt  }
0x42: {  	_ =	shalt  }
0x43: {  	_ =	shalt  }
0x44: {  	_ =	shalt  }
0x45: {  	_ =	shalt  }
0x46: {  	_ =	shalt  }
0x47: {  	_ =	shalt  }
0x48: {  	_ =	shalt  }
0x49: {  	_ =	shalt  }
0x4a: {  	_ =	shalt  }
0x4b: {  	_ =	shalt  }
0x4c: {  	_ =	shalt  }
0x4d: {  	_ =	shalt  }
0x4e: {  	_ =	shalt  }
0x4f: {  	_ =	shalt  }
0x50: {  	_ =	shalt  }
0x51: {  	_ =	shalt  }
0x52: {  	_ =	shalt  }
0x53: {  	_ =	shalt  }
0x54: {  	_ =	shalt  }
0x55: {  	_ =	shalt  }
0x56: {  	_ =	shalt  }
0x57: {  	_ =	shalt  }
0x58: {  	_ =	shalt  }
0x59: {  	_ =	shalt  }
0x5a: {  	_ =	shalt  }
0x5b: {  	_ =	shalt  }
0x5c: {  	_ =	shalt  }
0x5d: {  	_ =	shalt  }
0x5e: {  	_ =	shalt  }
0x5f: {  	_ =	shalt  }
0x60: {  	_ =	shalt  }
0x61: {  	_ =	shalt  }
0x62: {  	_ =	shalt  }
0x63: {  	_ =	shalt  }
0x64: {  	_ =	shalt  }
0x65: {  	_ =	shalt  }
0x66: {  	_ =	shalt  }
0x67: {  	_ =	shalt  }
0x68: {  	_ =	shalt  }
0x69: {  	_ =	shalt  }
0x6a: {  	_ =	shalt  }
0x6b: {  	_ =	shalt  }
0x6c: {  	_ =	shalt  }
0x6d: {  	_ =	shalt  }
0x6e: {  	_ =	shalt  }
0x6f: {  	_ =	shalt  }
0x70: {  	_ =	shalt  }
0x71: {  	_ =	shalt  }
0x72: {  	_ =	shalt  }
0x73: {  	_ =	shalt  }
0x74: {  	_ =	shalt  }
0x75: {  	_ =	shalt  }
0x76: {  	_ =	shalt  }
0x77: {  	_ =	shalt  }
0x78: {  	_ =	shalt  }
0x79: {  	_ =	shalt  }
0x7a: {  	_ =	shalt  }
0x7b: {  	_ =	shalt  }
0x7c: {  	_ =	shalt  }
0x7d: {  	_ =	shalt  }
0x7e: {  	_ =	shalt  }
0x7f: {  	_ =	shalt  }
0x80: {  	_ =	shalt  }
0x81: {  	_ =	shalt  }
0x82: {  	_ =	shalt  }
0x83: {  	_ =	shalt  }
0x84: {  	_ =	shalt  }
0x85: {  	_ =	shalt  }
0x86: {  	_ =	shalt  }
0x87: {  	_ =	shalt  }
.Lfunc_end0:
.L_simem_size_0:
called_computation_lowered:
.L_overlay_start_0:
0x88: {  	s2 =	sld [smem:$0x3FD9]  }
0x89: {  	s3 =	sld [smem:$0x3FFE];
	_ =	sdelay $0x1  }
0x8a: {  	s1 =	srdreg.scid  }
0x8b: {  	s0 =	sand.u32 $0x1, s1  }
0x8c: {  	s17 =	sshll.u32 s0, $0xA;
	s2 =	sadd.s32 s3, s2  }
0x8d: {  	s2 =	sadd.s32 s2, s17  }
0x8e: {  	[smem:$0x3FC6] =	sst s2  }
0x8f: {  	_ = 	snop  }
0x90: {  	s2 =	sld [smem:$0x3FC9]  }
0x91: {  	s18 =	sld [smem:$0x3FD0];
	(tm) =	ssettm $0x1  }
0x92: {  	s4 =	sld [smem:$0x3FFB];
	_ =	sdelay $0x3  }
0x93: {  	_ =	strace s4  }
0x94: {  	s4 =	sld [smem:$0x3FFC];
	_ =	sdelay $0x3  }
0x95: {  	_ =	strace s4  }
0x96: {  	s4 =	sld [smem:$0x3FFD];
	_ =	sdelay $0x3  }
0x97: {  	_ =	strace s4  }
0x98: {  	_ =	strace $0x8FFFFFFF  }
0x99: {  	s19 =	sld [smem:$0x3FDB];
	_ =	sdelay $0x1  }
0x9a: {  	s5 =	simm.s32 $_scs_section_size  }
0x9b: {  	s6 =	simm.s32 $_size__tile_overlayer_lowered;
	s7 =	simm.s32 $_tile_overlayer_lowered  }
0x9c: {  	s22 =	simm.s32 $0x1BFF;
	s21 =	sshll.u32 s7, $0x1;
	s4 =	sadd.s32 s5, s19  }
0x9d: {  	s8 =	simm.s32 $0x0;
	s20 =	sshll.u32 s6, $0x1;
	s6 =	sadd.s32 s21, s4  }
0x9e: {  	[timem:s8], [sflag:s22] =	dma.local [hbm:s6], s20  }
0x9f: {  	_ =	swait.ge [sflag:s22], s20  }
0xa0: {  	s5 =	ssub.s32 $0x0, s20;
	[sflag:s22] =	ssyncset.done $0x0  }
0xa1: {  	[sflag:s22] =	ssyncadd.s32 s5;
	_ =	sdelay $0x1  }
0xa2: {  	s23 =	simm.s32 $0x1B8B  }
0xa3: {  	_ =	swait.ge [sflag:s23], $0x1  }
0xa4: {  	[sflag:s23] =	ssyncset.done $0x0  }
0xa5: {  	s25 =	simm.s32 $0x1B8E;
	s24 =	sld [smem:$0x3FFE];
	[sflag:s23] =	ssyncadd.s32 $0xFFFFFFFF  }
0xa6: {  	s26 =	simm.s32 $execute0_lowered;
	[smem:$0x3FD2] =	sst s25  }
0xa7: {  	s6 =	sshll.u32 s26, $0x1;
	_ =	strace $0x80000046;
	[dreg:$0x1] =	wrdreg $0xFFFFFFFF  }
0xa8: {  	s28 =	simm.s32 $_size_execute0_lowered;
	s4 =	sadd.s32 s4, s6;
	[dreg:$0x0] =	wrdreg $0x0  }
0xa9: {  	s6 =	sshll.u32 s28, $0x1;
	[dreg:$0x2] =	wrdreg s4  }
0xaa: {  	[dreg:$0x3] =	wrdreg s6  }
0xab: {  	[dreg:$0x4] =	wrdreg $0xC0  }
0xac: {  	_ =	task [dreg:s8], $0x5FFFF  }
0xad: {  	[dreg:$0x1] =	wrdreg $0xFFFFFFFF  }
0xae: {  	[dreg:$0x0] =	wrdreg $0x60  }
0xaf: {  	[dreg:$0x2] =	wrdreg s24  }
0xb0: {  	[dreg:$0x3] =	wrdreg s2  }
0xb1: {  	[dreg:$0x4] =	wrdreg s18  }
0xb2: {  	[dreg:$0x5] =	wrdreg $0x9  }
0xb3: {  	_ =	task.clear_ibuf [dreg:s8], $0x6FFFF;
	_ =	strace $0x90000046  }
0xb4: {  	s29 =	simm.s32 $0x9;
	_ =	strace $0x80000048  }
0xb5: {  	_ =	swait.ge [sflag:s29], $0x1  }
0xb6: {  	[sflag:s29] =	ssyncadd.s32 $0xFFFFFFFF  }
0xb7: {  	_ =	strace $0x90000048  }
0xb8: {  	_ =	sfence  }
0xb9: {  	s30 =	sld [smem:$0x0];
	_ =	sdelay $0x2  }
0xba: {  	s31 =	sshll.u32 s1, $0xD;
	s1 =	sshrl.u32 s1, $0x2  }
0xbb: {  	s3 =	sand.u32 $0x4000, s31;
	s1 =	sadd.s32 s1, s30  }
0xbc: {  	s0 =	sor.u32 s3, s0;
	s1 =	sshll.u32 s1, $0x11  }
0xbd: {  	s0 =	sor.u32 s1, s0  }
0xbe: {  	s0 =	sadd.s32 $0x8F2B, s0  }
0xbf: {  	[sflag:s0] =	ssyncadd.remote.s32 $0x1  }
0xc0: {  	_ =	sfence.sel $0xFFFF  }
0xc1: {  	[dreg:$0x0] =	wrdreg $0xFFFFFFFF;
	(pc) =	sbr.abs _section_cstart, $3  }
0xc2: {  	[dreg:$0x1] =	wrdreg $0xFFFFFFFF  }
0xc3: {  	_ =	task.clear_ibuf [dreg:s8], $0x2FFFF;
	_ =	strace $0x9FFFFFFF  }
0xc4: {  	(tm) =	ssettm $0x7FFFFFFF  }
0xc5: {  	_ =	shalt  }
tec
execute0_lowered:
.L_overlay_start_1:
0x0: {  	(tag) =	ssettag $0x1  }
0x1: {  	s3 =	rddreg [dreg:$0x0]  }
0x2: {  	s4 =	rddreg [dreg:$0x1]  }
0x3: {  	s5 =	rddreg [dreg:$0x2]  }
0x4: {  	s0 =	rddreg [dreg:$0x3];
	s2 =	simm.s32 $0x0;
	s6 =	srdreg.scid  }
0x5: {  	s1 =	stileid.u32;
	s10 =	simm.s32 $0x1A00;
	s11 =	simm.s32 $0x4000  }
0x6: {  	s12 =	simm.s32 $0x7400;
	s13 =	simm.s32 $0x5A00;
	s14 =	simm.s32 $0x8E00  }
0x7: {  	s15 =	simm.s32 $0x1;
	s16 =	simm.s32 $0x2;
	s17 =	simm.s32 $0xA800  }
0x8: {  	s18 =	simm.s32 $0x0;
	[smem:$0x7FF] =	sst s2;
	s6 =	sand.u32 $0x1, s6  }
0x9: {  	s8 =	sshll.u32 s1, $0xA;
	s7 =	ssub.s32 $0x2, s6;
	s6 =	sshll.u32 s6, $0x9  }
0xa: {  	s3 =	sadd.s32 $0x400, s3;
	s9 =	sshrl.u32 s7, $0x1;
	s6 =	sor.u32 s6, s8  }
0xb: {  	_ =	strace $0x80000047;
	s7 =	ssub.s32 s7, s9;
	s8 =	sshrl.u32 s6, $0x3  }
0xc: {  	s4 =	sadd.s32 s4, s6;
	s9 =	simm.s32 $0x3;
	s5 =	sadd.s32 s5, s8  }
0xd: {  	s6 =	smax.u32 s7, $0x1;
	s7 =	simm.s32 $0x1000;
	s8 =	simm.s32 $0x20000  }
.LBB2_1:
0xe: {  	[tilespmem:s2], [sflag:$0x3] =	stream.strided.gather [hbm4b:s4+s7], $0x4000, s8, s7, $0x38;
	[tilespmem:$0xAA00] =	vst v63  }
0xf: {  	_ =	swait.ge [sflag:s9], $0x4000  }
0x10: {  	s19 =	sand.u32 $0x70, s2;
	s20 =	sand.u32 $0xC00, s2;
	[sflag:s9] =	ssyncset.done $0x0  }
0x11: {  	s19 =	sor.u32 s19, s20;
	[sflag:s9] =	ssyncadd.s32 $0xFFFFC000  }
0x12: {  	v0 =	vld [tilespmem:s19+$0x0];
	_ =	sdelay $0x4  }
0x13: {  	[tilespmem:s11+$0x0] =	vst v0  }
0x14: {  	v0 =	vld [tilespmem:s19+$0x80];
	_ =	sdelay $0x4  }
0x15: {  	s21 =	sand.u32 $0x1F0, s2;
	v0 =	vadd.s32 $0x186A0, v0  }
0x16: {  	[tilespmem:s21+$0x4200] =	vst v0  }
0x17: {  	v0 =	vld [tilespmem:s19+$0x100];
	_ =	sdelay $0x4  }
0x18: {  	v0 =	vadd.s32 $0x30D40, v0  }
0x19: {  	[tilespmem:s21+$0x4400] =	vst v0  }
0x1a: {  	v0 =	vld [tilespmem:s19+$0x180];
	_ =	sdelay $0x4  }
0x1b: {  	v0 =	vadd.s32 $0x493E0, v0  }
0x1c: {  	[tilespmem:s21+$0x4600] =	vst v0  }
0x1d: {  	v0 =	vld [tilespmem:s19+$0x200];
	_ =	sdelay $0x4  }
0x1e: {  	v0 =	vadd.s32 $0x61A80, v0  }
0x1f: {  	[tilespmem:s21+$0x4800] =	vst v0  }
0x20: {  	v0 =	vld [tilespmem:s19+$0x280];
	_ =	sdelay $0x4  }
0x21: {  	v0 =	vadd.s32 $0x7A120, v0  }
0x22: {  	[tilespmem:s21+$0x4A00] =	vst v0  }
0x23: {  	v0 =	vld [tilespmem:s19+$0x300];
	_ =	sdelay $0x4  }
0x24: {  	s31 =	sor.u32 s2, s2;
	v0 =	vadd.s32 $0x927C0, v0  }
0x25: {  	s20 =	sor.u32 $0x380, s31;
	[tilespmem:s21+$0x4C00] =	vst v0  }
0x26: {  	v0 =	vld [tilespmem:s20+$0x0];
	_ =	sdelay $0x4  }
0x27: {  	v0 =	vadd.s32 $0xAAE60, v0  }
0x28: {  	[tilespmem:s21+$0x4E00] =	vst v0  }
0x29: {  	v0 =	vld [tilespmem:s19+$0x1000];
	_ =	sdelay $0x4  }
0x2a: {  	v0 =	vadd.s32 $0xC3500, v0  }
0x2b: {  	[tilespmem:s21+$0x5000] =	vst v0  }
0x2c: {  	v0 =	vld [tilespmem:s19+$0x1080];
	_ =	sdelay $0x4  }
0x2d: {  	v0 =	vadd.s32 $0xDBBA0, v0  }
0x2e: {  	[tilespmem:s21+$0x5200] =	vst v0  }
0x2f: {  	v0 =	vld [tilespmem:s19+$0x1100];
	_ =	sdelay $0x4  }
0x30: {  	v0 =	vadd.s32 $0xF4240, v0  }
0x31: {  	[tilespmem:s21+$0x5400] =	vst v0  }
0x32: {  	v0 =	vld [tilespmem:s19+$0x1180];
	_ =	sdelay $0x4  }
0x33: {  	v0 =	vadd.s32 $0x10C8E0, v0  }
0x34: {  	[tilespmem:s21+$0x5600] =	vst v0  }
0x35: {  	v0 =	vld [tilespmem:s19+$0x1200];
	_ =	sdelay $0x3  }
0x36: {  	s23 =	simm.s32 $0x20;
	s20 =	simm.s32 $0x80;
	s19 =	simm.s32 $0x10  }
0x37: {  	s22 =	simm.s32 $0x4000;
	s25 =	sand.u32 $0xC00, s20;
	s24 =	sand.u32 $0x70, s19;
	v0 =	vadd.s32 $0x124F80, v0  }
.LBB2_2:
0x38: {  	p0 =	sne.s32 s23, $0x1F0;
	s24 =	sor.u32 s24, s25;
	[tilespmem:s21+$0x5800] =	vst v0  }
0x39: {  	v0 =	vld [tilespmem:s24+$0x0];
	_ =	sdelay $0x3  }
0x3a: {  	s22 =	sadd.s32 $0x10, s22  }
0x3b: {  	[tilespmem:s22+$0x0] =	vst v0  }
0x3c: {  	v0 =	vld [tilespmem:s24+$0x80];
	_ =	sdelay $0x4  }
0x3d: {  	s21 =	sand.u32 $0x1F0, s19;
	v0 =	vadd.s32 $0x186A0, v0  }
0x3e: {  	[tilespmem:s21+$0x4200] =	vst v0  }
0x3f: {  	v0 =	vld [tilespmem:s24+$0x100];
	_ =	sdelay $0x4  }
0x40: {  	v0 =	vadd.s32 $0x30D40, v0  }
0x41: {  	[tilespmem:s21+$0x4400] =	vst v0  }
0x42: {  	v0 =	vld [tilespmem:s24+$0x180];
	_ =	sdelay $0x4  }
0x43: {  	v0 =	vadd.s32 $0x493E0, v0  }
0x44: {  	[tilespmem:s21+$0x4600] =	vst v0  }
0x45: {  	v0 =	vld [tilespmem:s24+$0x200];
	_ =	sdelay $0x4  }
0x46: {  	v0 =	vadd.s32 $0x61A80, v0  }
0x47: {  	[tilespmem:s21+$0x4800] =	vst v0  }
0x48: {  	v0 =	vld [tilespmem:s24+$0x280];
	_ =	sdelay $0x4  }
0x49: {  	v0 =	vadd.s32 $0x7A120, v0  }
0x4a: {  	[tilespmem:s21+$0x4A00] =	vst v0  }
0x4b: {  	v0 =	vld [tilespmem:s24+$0x300];
	_ =	sdelay $0x4  }
0x4c: {  	s25 =	sor.u32 s20, s19;
	s19 =	smov.u32 s23;
	v0 =	vadd.s32 $0x927C0, v0  }
0x4d: {  	s25 =	sor.u32 $0x380, s25;
	[tilespmem:s21+$0x4C00] =	vst v0  }
0x4e: {  	v0 =	vld [tilespmem:s25+$0x0];
	_ =	sdelay $0x4  }
0x4f: {  	v0 =	vadd.s32 $0xAAE60, v0  }
0x50: {  	[tilespmem:s21+$0x4E00] =	vst v0  }
0x51: {  	v0 =	vld [tilespmem:s24+$0x1000];
	_ =	sdelay $0x4  }
0x52: {  	v0 =	vadd.s32 $0xC3500, v0  }
0x53: {  	[tilespmem:s21+$0x5000] =	vst v0  }
0x54: {  	v0 =	vld [tilespmem:s24+$0x1080];
	_ =	sdelay $0x4  }
0x55: {  	v0 =	vadd.s32 $0xDBBA0, v0  }
0x56: {  	[tilespmem:s21+$0x5200] =	vst v0  }
0x57: {  	v0 =	vld [tilespmem:s24+$0x1100];
	_ =	sdelay $0x4  }
0x58: {  	v0 =	vadd.s32 $0xF4240, v0  }
0x59: {  	[tilespmem:s21+$0x5400] =	vst v0  }
0x5a: {  	v0 =	vld [tilespmem:s24+$0x1180];
	_ =	sdelay $0x4  }
0x5b: {  	v0 =	vadd.s32 $0x10C8E0, v0  }
0x5c: {  	[tilespmem:s21+$0x5600] =	vst v0  }
0x5d: {  	v0 =	vld [tilespmem:s24+$0x1200]  }
.Ltmp0:
0x5e: {  	(pc) =	sbr.rel @p0 .LBB2_2-.Ltmp0, $3  }
0x5f: {  	_ =	sdelay $0x1  }
0x60: {  	s20 =	sadd.s32 $0x80, s20  }
0x61: {  	s23 =	sadd.s32 $0x10, s23;
	s25 =	sand.u32 $0xC00, s20;
	s24 =	sand.u32 $0x70, s19;
	v0 =	vadd.s32 $0x124F80, v0  }
0x62: {  	s23 =	sor.u32 s24, s25;
	[tilespmem:s21+$0x5800] =	vst v0  }
0x63: {  	v0 =	vld [tilespmem:s23+$0x0];
	_ =	sdelay $0x3  }
0x64: {  	s25 =	sadd.s32 $0x10, s22  }
0x65: {  	[tilespmem:s25+$0x0] =	vst v0  }
0x66: {  	v0 =	vld [tilespmem:s23+$0x80];
	_ =	sdelay $0x4  }
0x67: {  	s26 =	sand.u32 $0x1F0, s19;
	v0 =	vadd.s32 $0x186A0, v0  }
0x68: {  	[tilespmem:s26+$0x4200] =	vst v0  }
0x69: {  	v0 =	vld [tilespmem:s23+$0x100];
	_ =	sdelay $0x4  }
0x6a: {  	v0 =	vadd.s32 $0x30D40, v0  }
0x6b: {  	[tilespmem:s26+$0x4400] =	vst v0  }
0x6c: {  	v0 =	vld [tilespmem:s23+$0x180];
	_ =	sdelay $0x4  }
0x6d: {  	v0 =	vadd.s32 $0x493E0, v0  }
0x6e: {  	[tilespmem:s26+$0x4600] =	vst v0  }
0x6f: {  	v0 =	vld [tilespmem:s23+$0x200];
	_ =	sdelay $0x4  }
0x70: {  	v0 =	vadd.s32 $0x61A80, v0  }
0x71: {  	[tilespmem:s26+$0x4800] =	vst v0  }
0x72: {  	v0 =	vld [tilespmem:s23+$0x280];
	_ =	sdelay $0x4  }
0x73: {  	v0 =	vadd.s32 $0x7A120, v0  }
0x74: {  	[tilespmem:s26+$0x4A00] =	vst v0  }
0x75: {  	v0 =	vld [tilespmem:s23+$0x300];
	_ =	sdelay $0x4  }
0x76: {  	s28 =	sor.u32 s20, s19;
	v0 =	vadd.s32 $0x927C0, v0  }
0x77: {  	s19 =	sor.u32 $0x380, s28;
	[tilespmem:s26+$0x4C00] =	vst v0  }
0x78: {  	v0 =	vld [tilespmem:s19+$0x0];
	_ =	sdelay $0x4  }
0x79: {  	v0 =	vadd.s32 $0xAAE60, v0  }
0x7a: {  	[tilespmem:s26+$0x4E00] =	vst v0  }
0x7b: {  	v0 =	vld [tilespmem:s23+$0x1000];
	_ =	sdelay $0x4  }
0x7c: {  	v0 =	vadd.s32 $0xC3500, v0  }
0x7d: {  	[tilespmem:s26+$0x5000] =	vst v0  }
0x7e: {  	v0 =	vld [tilespmem:s23+$0x1080];
	_ =	sdelay $0x4  }
0x7f: {  	v0 =	vadd.s32 $0xDBBA0, v0  }
0x80: {  	[tilespmem:s26+$0x5200] =	vst v0  }
0x81: {  	v0 =	vld [tilespmem:s23+$0x1100];
	_ =	sdelay $0x4  }
0x82: {  	v0 =	vadd.s32 $0xF4240, v0  }
0x83: {  	[tilespmem:s26+$0x5400] =	vst v0  }
0x84: {  	v0 =	vld [tilespmem:s23+$0x1180];
	_ =	sdelay $0x4  }
0x85: {  	v0 =	vadd.s32 $0x10C8E0, v0  }
0x86: {  	[tilespmem:s26+$0x5600] =	vst v0  }
0x87: {  	v0 =	vld [tilespmem:s23+$0x1200];
	_ =	sdelay $0x3  }
0x88: {  	s29 =	simm.s32 $0x0  }
0x89: {  	s30 =	sand.u32 $0x70, s29;
	s31 =	sand.u32 $0xC00, s29;
	v0 =	vadd.s32 $0x124F80, v0  }
0x8a: {  	s20 =	sor.u32 s30, s31;
	[tilespmem:s26+$0x5800] =	vst v0  }
0x8b: {  	[tilespmem:s12], [sflag:$0x1] =	stream.indirect.gather [hbm4b:s3+s10], $0x1, s11, s10, $0xb8;
	[tilespmem:$0xAA00] =	vst v63  }
0x8c: {  	v0 =	vld [tilespmem:s20+$0x1280];
	_ =	sdelay $0x4  }
0x8d: {  	s19 =	sand.u32 $0x1F0, s29;
	v0 =	vadd.s32 $0x13D620, v0  }
0x8e: {  	[tilespmem:s19+$0x5A00] =	vst v0  }
0x8f: {  	v0 =	vld [tilespmem:s20+$0x1300];
	_ =	sdelay $0x4  }
0x90: {  	v0 =	vadd.s32 $0x155CC0, v0  }
0x91: {  	[tilespmem:s19+$0x5C00] =	vst v0  }
0x92: {  	v0 =	vld [tilespmem:s20+$0x1380];
	_ =	sdelay $0x4  }
0x93: {  	v0 =	vadd.s32 $0x16E360, v0  }
0x94: {  	[tilespmem:s19+$0x5E00] =	vst v0  }
0x95: {  	v0 =	vld [tilespmem:s20+$0x2000];
	_ =	sdelay $0x4  }
0x96: {  	v0 =	vadd.s32 $0x186A00, v0  }
0x97: {  	[tilespmem:s19+$0x6000] =	vst v0  }
0x98: {  	v0 =	vld [tilespmem:s20+$0x2080];
	_ =	sdelay $0x4  }
0x99: {  	v0 =	vadd.s32 $0x19F0A0, v0  }
0x9a: {  	[tilespmem:s19+$0x6200] =	vst v0  }
0x9b: {  	v0 =	vld [tilespmem:s20+$0x2100];
	_ =	sdelay $0x4  }
0x9c: {  	v0 =	vadd.s32 $0x1B7740, v0  }
0x9d: {  	[tilespmem:s19+$0x6400] =	vst v0  }
0x9e: {  	v0 =	vld [tilespmem:s20+$0x2180];
	_ =	sdelay $0x4  }
0x9f: {  	v0 =	vadd.s32 $0x1CFDE0, v0  }
0xa0: {  	[tilespmem:s19+$0x6600] =	vst v0  }
0xa1: {  	v0 =	vld [tilespmem:s20+$0x2200];
	_ =	sdelay $0x4  }
0xa2: {  	v0 =	vadd.s32 $0x1E8480, v0  }
0xa3: {  	[tilespmem:s19+$0x6800] =	vst v0  }
0xa4: {  	v0 =	vld [tilespmem:s20+$0x2280];
	_ =	sdelay $0x4  }
0xa5: {  	v0 =	vadd.s32 $0x200B20, v0  }
0xa6: {  	[tilespmem:s19+$0x6A00] =	vst v0  }
0xa7: {  	v0 =	vld [tilespmem:s20+$0x2300];
	_ =	sdelay $0x4  }
0xa8: {  	v0 =	vadd.s32 $0x2191C0, v0  }
0xa9: {  	[tilespmem:s19+$0x6C00] =	vst v0  }
0xaa: {  	v0 =	vld [tilespmem:s20+$0x2380];
	_ =	sdelay $0x4  }
0xab: {  	v0 =	vadd.s32 $0x231860, v0  }
0xac: {  	[tilespmem:s19+$0x6E00] =	vst v0  }
0xad: {  	v0 =	vld [tilespmem:s20+$0x3000];
	_ =	sdelay $0x4  }
0xae: {  	v0 =	vadd.s32 $0x249F00, v0  }
0xaf: {  	[tilespmem:s19+$0x7000] =	vst v0  }
0xb0: {  	v0 =	vld [tilespmem:s20+$0x3080];
	_ =	sdelay $0x3  }
0xb1: {  	s21 =	simm.s32 $0x80;
	s20 =	simm.s32 $0x10  }
0xb2: {  	s22 =	simm.s32 $0x20;
	s24 =	sand.u32 $0xC00, s21;
	s23 =	sand.u32 $0x70, s20;
	v0 =	vadd.s32 $0x2625A0, v0  }
.LBB2_4:
0xb3: {  	p0 =	sne.s32 s22, $0x1F0;
	s23 =	sor.u32 s23, s24;
	[tilespmem:s19+$0x7200] =	vst v0  }
0xb4: {  	v0 =	vld [tilespmem:s23+$0x1280];
	_ =	sdelay $0x4  }
0xb5: {  	s19 =	sand.u32 $0x1F0, s20;
	s20 =	smov.u32 s22;
	v0 =	vadd.s32 $0x13D620, v0  }
0xb6: {  	[tilespmem:s19+$0x5A00] =	vst v0  }
0xb7: {  	v0 =	vld [tilespmem:s23+$0x1300];
	_ =	sdelay $0x4  }
0xb8: {  	v0 =	vadd.s32 $0x155CC0, v0  }
0xb9: {  	[tilespmem:s19+$0x5C00] =	vst v0  }
0xba: {  	v0 =	vld [tilespmem:s23+$0x1380];
	_ =	sdelay $0x4  }
0xbb: {  	v0 =	vadd.s32 $0x16E360, v0  }
0xbc: {  	[tilespmem:s19+$0x5E00] =	vst v0  }
0xbd: {  	v0 =	vld [tilespmem:s23+$0x2000];
	_ =	sdelay $0x4  }
0xbe: {  	v0 =	vadd.s32 $0x186A00, v0  }
0xbf: {  	[tilespmem:s19+$0x6000] =	vst v0  }
0xc0: {  	v0 =	vld [tilespmem:s23+$0x2080];
	_ =	sdelay $0x4  }
0xc1: {  	v0 =	vadd.s32 $0x19F0A0, v0  }
0xc2: {  	[tilespmem:s19+$0x6200] =	vst v0  }
0xc3: {  	v0 =	vld [tilespmem:s23+$0x2100];
	_ =	sdelay $0x4  }
0xc4: {  	v0 =	vadd.s32 $0x1B7740, v0  }
0xc5: {  	[tilespmem:s19+$0x6400] =	vst v0  }
0xc6: {  	v0 =	vld [tilespmem:s23+$0x2180];
	_ =	sdelay $0x4  }
0xc7: {  	v0 =	vadd.s32 $0x1CFDE0, v0  }
0xc8: {  	[tilespmem:s19+$0x6600] =	vst v0  }
0xc9: {  	v0 =	vld [tilespmem:s23+$0x2200];
	_ =	sdelay $0x4  }
0xca: {  	v0 =	vadd.s32 $0x1E8480, v0  }
0xcb: {  	[tilespmem:s19+$0x6800] =	vst v0  }
0xcc: {  	v0 =	vld [tilespmem:s23+$0x2280];
	_ =	sdelay $0x4  }
0xcd: {  	v0 =	vadd.s32 $0x200B20, v0  }
0xce: {  	[tilespmem:s19+$0x6A00] =	vst v0  }
0xcf: {  	v0 =	vld [tilespmem:s23+$0x2300];
	_ =	sdelay $0x4  }
0xd0: {  	v0 =	vadd.s32 $0x2191C0, v0  }
0xd1: {  	[tilespmem:s19+$0x6C00] =	vst v0  }
0xd2: {  	v0 =	vld [tilespmem:s23+$0x2380];
	_ =	sdelay $0x4  }
0xd3: {  	v0 =	vadd.s32 $0x231860, v0  }
0xd4: {  	[tilespmem:s19+$0x6E00] =	vst v0  }
0xd5: {  	v0 =	vld [tilespmem:s23+$0x3000];
	_ =	sdelay $0x4  }
0xd6: {  	v0 =	vadd.s32 $0x249F00, v0  }
0xd7: {  	[tilespmem:s19+$0x7000] =	vst v0  }
0xd8: {  	v0 =	vld [tilespmem:s23+$0x3080]  }
.Ltmp1:
0xd9: {  	(pc) =	sbr.rel @p0 .LBB2_4-.Ltmp1, $3  }
0xda: {  	_ =	sdelay $0x1  }
0xdb: {  	s21 =	sadd.s32 $0x80, s21  }
0xdc: {  	s22 =	sadd.s32 $0x10, s22;
	s24 =	sand.u32 $0xC00, s21;
	s23 =	sand.u32 $0x70, s20;
	v0 =	vadd.s32 $0x2625A0, v0  }
0xdd: {  	s21 =	sor.u32 s23, s24;
	[tilespmem:s19+$0x7200] =	vst v0  }
0xde: {  	v0 =	vld [tilespmem:s21+$0x1280];
	_ =	sdelay $0x4  }
0xdf: {  	s28 =	sand.u32 $0x1F0, s20;
	v0 =	vadd.s32 $0x13D620, v0  }
0xe0: {  	[tilespmem:s28+$0x5A00] =	vst v0  }
0xe1: {  	v0 =	vld [tilespmem:s21+$0x1300];
	_ =	sdelay $0x4  }
0xe2: {  	v0 =	vadd.s32 $0x155CC0, v0  }
0xe3: {  	[tilespmem:s28+$0x5C00] =	vst v0  }
0xe4: {  	v0 =	vld [tilespmem:s21+$0x1380];
	_ =	sdelay $0x4  }
0xe5: {  	v0 =	vadd.s32 $0x16E360, v0  }
0xe6: {  	[tilespmem:s28+$0x5E00] =	vst v0  }
0xe7: {  	v0 =	vld [tilespmem:s21+$0x2000];
	_ =	sdelay $0x4  }
0xe8: {  	v0 =	vadd.s32 $0x186A00, v0  }
0xe9: {  	[tilespmem:s28+$0x6000] =	vst v0  }
0xea: {  	v0 =	vld [tilespmem:s21+$0x2080];
	_ =	sdelay $0x4  }
0xeb: {  	v0 =	vadd.s32 $0x19F0A0, v0  }
0xec: {  	[tilespmem:s28+$0x6200] =	vst v0  }
0xed: {  	v0 =	vld [tilespmem:s21+$0x2100];
	_ =	sdelay $0x4  }
0xee: {  	v0 =	vadd.s32 $0x1B7740, v0  }
0xef: {  	[tilespmem:s28+$0x6400] =	vst v0  }
0xf0: {  	v0 =	vld [tilespmem:s21+$0x2180];
	_ =	sdelay $0x4  }
0xf1: {  	v0 =	vadd.s32 $0x1CFDE0, v0  }
0xf2: {  	[tilespmem:s28+$0x6600] =	vst v0  }
0xf3: {  	v0 =	vld [tilespmem:s21+$0x2200];
	_ =	sdelay $0x4  }
0xf4: {  	v0 =	vadd.s32 $0x1E8480, v0  }
0xf5: {  	[tilespmem:s28+$0x6800] =	vst v0  }
0xf6: {  	v0 =	vld [tilespmem:s21+$0x2280];
	_ =	sdelay $0x4  }
0xf7: {  	v0 =	vadd.s32 $0x200B20, v0  }
0xf8: {  	[tilespmem:s28+$0x6A00] =	vst v0  }
0xf9: {  	v0 =	vld [tilespmem:s21+$0x2300];
	_ =	sdelay $0x4  }
0xfa: {  	v0 =	vadd.s32 $0x2191C0, v0  }
0xfb: {  	[tilespmem:s28+$0x6C00] =	vst v0  }
0xfc: {  	v0 =	vld [tilespmem:s21+$0x2380];
	_ =	sdelay $0x4  }
0xfd: {  	v0 =	vadd.s32 $0x231860, v0  }
0xfe: {  	[tilespmem:s28+$0x6E00] =	vst v0  }
0xff: {  	v0 =	vld [tilespmem:s21+$0x3000];
	_ =	sdelay $0x4  }
0x100: {  	v0 =	vadd.s32 $0x249F00, v0  }
0x101: {  	[tilespmem:s28+$0x7000] =	vst v0  }
0x102: {  	v0 =	vld [tilespmem:s21+$0x3080];
	_ =	sdelay $0x4  }
0x103: {  	v0 =	vadd.s32 $0x2625A0, v0  }
0x104: {  	[tilespmem:s28+$0x7200] =	vst v0  }
0x105: {  	[tilespmem:s14], [sflag:$0x2] =	stream.indirect.gather [hbm4b:s3+s10], $0x1, s13, s10, $0xb8;
	[tilespmem:$0xAA00] =	vst v63  }
0x106: {  	_ =	swait.ge [sflag:s15], $0x1A00  }
0x107: {  	s29 =	simm.s32 $0x0;
	[sflag:s15] =	ssyncset.done $0x0  }
0x108: {  	s19 =	sand.u32 $0x1F0, s29;
	[sflag:s15] =	ssyncadd.s32 $0xFFFFE600  }
0x109: {  	s30 =	simm.s32 $0x7400;
	v0 =	vld [tilespmem:s19+$0x7600]  }
0x10a: {  	v1 =	vld [tilespmem:s30+$0x0];
	_ =	sdelay $0x1  }
0x10b: {  	v2 =	vld [tilespmem:s19+$0x7800];
	_ =	sdelay $0x1  }
0x10c: {  	v3 =	vld [tilespmem:s19+$0x7A00]  }
0x10d: {  	v0 =	vadd.f32 v0, v1  }
0x10e: {  	v1 =	vld [tilespmem:s19+$0x7C00]  }
0x10f: {  	v0 =	vadd.f32 v2, v0  }
0x110: {  	v2 =	vld [tilespmem:s19+$0x7E00]  }
0x111: {  	v0 =	vadd.f32 v3, v0  }
0x112: {  	v3 =	vld [tilespmem:s19+$0x8000]  }
0x113: {  	v0 =	vadd.f32 v1, v0  }
0x114: {  	v1 =	vld [tilespmem:s19+$0x8200]  }
0x115: {  	v0 =	vadd.f32 v2, v0  }
0x116: {  	v2 =	vld [tilespmem:s19+$0x8400]  }
0x117: {  	v0 =	vadd.f32 v3, v0  }
0x118: {  	v3 =	vld [tilespmem:s19+$0x8600]  }
0x119: {  	v0 =	vadd.f32 v1, v0  }
0x11a: {  	v1 =	vld [tilespmem:s19+$0x8800]  }
0x11b: {  	v0 =	vadd.f32 v2, v0  }
0x11c: {  	v2 =	vld [tilespmem:s19+$0x8A00]  }
0x11d: {  	v0 =	vadd.f32 v3, v0  }
0x11e: {  	v3 =	vld [tilespmem:s19+$0x8C00]  }
0x11f: {  	v0 =	vadd.f32 v1, v0;
	_ =	sdelay $0x1  }
0x120: {  	v0 =	vadd.f32 v2, v0;
	_ =	sdelay $0x1  }
0x121: {  	v0 =	vadd.f32 v3, v0  }
0x122: {  	s31 =	simm.s32 $0x10;
	s19 =	simm.s32 $0xA800  }
0x123: {  	s20 =	sand.u32 $0x1F0, s31;
	[tilespmem:s19+$0x0] =	vst v0  }
0x124: {  	s22 =	simm.s32 $0x20;
	s21 =	simm.s32 $0x7410;
	v0 =	vld [tilespmem:s20+$0x7600]  }
.LBB2_6:
0x125: {  	p0 =	sne.s32 s22, $0x1F0;
	v1 =	vld [tilespmem:s21+$0x0];
	_ =	sdelay $0x1  }
0x126: {  	v2 =	vld [tilespmem:s20+$0x7800];
	_ =	sdelay $0x1  }
0x127: {  	v3 =	vld [tilespmem:s20+$0x7A00]  }
0x128: {  	v0 =	vadd.f32 v0, v1  }
0x129: {  	v1 =	vld [tilespmem:s20+$0x7C00]  }
0x12a: {  	v0 =	vadd.f32 v2, v0  }
0x12b: {  	v2 =	vld [tilespmem:s20+$0x7E00]  }
0x12c: {  	v0 =	vadd.f32 v3, v0  }
0x12d: {  	v3 =	vld [tilespmem:s20+$0x8000]  }
0x12e: {  	v0 =	vadd.f32 v1, v0  }
0x12f: {  	v1 =	vld [tilespmem:s20+$0x8200]  }
0x130: {  	v0 =	vadd.f32 v2, v0  }
0x131: {  	v2 =	vld [tilespmem:s20+$0x8400]  }
0x132: {  	v0 =	vadd.f32 v3, v0  }
0x133: {  	v3 =	vld [tilespmem:s20+$0x8600]  }
0x134: {  	v0 =	vadd.f32 v1, v0  }
0x135: {  	v1 =	vld [tilespmem:s20+$0x8800]  }
0x136: {  	v0 =	vadd.f32 v2, v0  }
0x137: {  	v2 =	vld [tilespmem:s20+$0x8A00]  }
0x138: {  	v0 =	vadd.f32 v3, v0  }
0x139: {  	v3 =	vld [tilespmem:s20+$0x8C00]  }
0x13a: {  	v0 =	vadd.f32 v1, v0;
	_ =	sdelay $0x1  }
0x13b: {  	v0 =	vadd.f32 v2, v0  }
.Ltmp2:
0x13c: {  	(pc) =	sbr.rel @p0 .LBB2_6-.Ltmp2, $4  }
0x13d: {  	v0 =	vadd.f32 v3, v0  }
0x13e: {  	s19 =	sadd.s32 $0x10, s19  }
0x13f: {  	s20 =	sand.u32 $0x1F0, s22;
	[tilespmem:s19+$0x0] =	vst v0  }
0x140: {  	s21 =	sadd.s32 $0x10, s21;
	s22 =	sadd.s32 $0x10, s22;
	v0 =	vld [tilespmem:s20+$0x7600]  }
0x141: {  	v1 =	vld [tilespmem:s21+$0x0];
	_ =	sdelay $0x1  }
0x142: {  	v2 =	vld [tilespmem:s20+$0x7800];
	_ =	sdelay $0x1  }
0x143: {  	v3 =	vld [tilespmem:s20+$0x7A00]  }
0x144: {  	v0 =	vadd.f32 v0, v1  }
0x145: {  	v1 =	vld [tilespmem:s20+$0x7C00]  }
0x146: {  	v0 =	vadd.f32 v2, v0  }
0x147: {  	v2 =	vld [tilespmem:s20+$0x7E00]  }
0x148: {  	v0 =	vadd.f32 v3, v0  }
0x149: {  	v3 =	vld [tilespmem:s20+$0x8000]  }
0x14a: {  	v0 =	vadd.f32 v1, v0  }
0x14b: {  	v1 =	vld [tilespmem:s20+$0x8200]  }
0x14c: {  	v0 =	vadd.f32 v2, v0  }
0x14d: {  	v2 =	vld [tilespmem:s20+$0x8400]  }
0x14e: {  	v0 =	vadd.f32 v3, v0  }
0x14f: {  	v3 =	vld [tilespmem:s20+$0x8600]  }
0x150: {  	v0 =	vadd.f32 v1, v0  }
0x151: {  	v1 =	vld [tilespmem:s20+$0x8800]  }
0x152: {  	v0 =	vadd.f32 v2, v0  }
0x153: {  	v2 =	vld [tilespmem:s20+$0x8A00]  }
0x154: {  	v0 =	vadd.f32 v3, v0  }
0x155: {  	v3 =	vld [tilespmem:s20+$0x8C00]  }
0x156: {  	v0 =	vadd.f32 v1, v0;
	_ =	sdelay $0x1  }
0x157: {  	v0 =	vadd.f32 v2, v0;
	_ =	sdelay $0x1  }
0x158: {  	v0 =	vadd.f32 v3, v0  }
0x159: {  	s19 =	sadd.s32 $0x10, s19  }
0x15a: {  	[tilespmem:s19+$0x0] =	vst v0  }
0x15b: {  	_ =	swait.ge [sflag:s16], $0x1A00  }
0x15c: {  	s31 =	simm.s32 $0x0;
	[sflag:s16] =	ssyncset.done $0x0  }
0x15d: {  	s21 =	sand.u32 $0x1F0, s31;
	[sflag:s16] =	ssyncadd.s32 $0xFFFFE600  }
0x15e: {  	s20 =	simm.s32 $0x10;
	s19 =	simm.s32 $0xA800;
	v0 =	vld [tilespmem:s21+$0x8E00]  }
.LBB2_8:
0x15f: {  	p0 =	sne.s32 s20, $0x1F0;
	v1 =	vld [tilespmem:s19+$0x0];
	_ =	sdelay $0x1  }
0x160: {  	v2 =	vld [tilespmem:s21+$0x9000];
	_ =	sdelay $0x1  }
0x161: {  	v3 =	vld [tilespmem:s21+$0x9200]  }
0x162: {  	v0 =	vadd.f32 v0, v1  }
0x163: {  	v1 =	vld [tilespmem:s21+$0x9400]  }
0x164: {  	v0 =	vadd.f32 v2, v0  }
0x165: {  	v2 =	vld [tilespmem:s21+$0x9600]  }
0x166: {  	v0 =	vadd.f32 v3, v0  }
0x167: {  	v3 =	vld [tilespmem:s21+$0x9800]  }
0x168: {  	v0 =	vadd.f32 v1, v0  }
0x169: {  	v1 =	vld [tilespmem:s21+$0x9A00]  }
0x16a: {  	v0 =	vadd.f32 v2, v0  }
0x16b: {  	v2 =	vld [tilespmem:s21+$0x9C00]  }
0x16c: {  	v0 =	vadd.f32 v3, v0  }
0x16d: {  	v3 =	vld [tilespmem:s21+$0x9E00]  }
0x16e: {  	v0 =	vadd.f32 v1, v0  }
0x16f: {  	v1 =	vld [tilespmem:s21+$0xA000]  }
0x170: {  	v0 =	vadd.f32 v2, v0  }
0x171: {  	v2 =	vld [tilespmem:s21+$0xA200]  }
0x172: {  	v0 =	vadd.f32 v3, v0  }
0x173: {  	v3 =	vld [tilespmem:s21+$0xA400]  }
0x174: {  	v0 =	vadd.f32 v1, v0  }
0x175: {  	v1 =	vld [tilespmem:s21+$0xA600]  }
0x176: {  	v0 =	vadd.f32 v2, v0;
	_ =	sdelay $0x1  }
0x177: {  	v0 =	vadd.f32 v3, v0;
	_ =	sdelay $0x1  }
0x178: {  	v0 =	vadd.f32 v1, v0;
	_ =	sdelay $0x1  }
0x179: {  	v0 =	vsub.f32 $0.0e+00, v0;
	_ =	sdelay $0x1  }
0x17a: {  	v0 =	vmul.f32 $1.442695020e+00, v0;
	_ =	sdelay $0x1  }
0x17b: {  	(erf) = vpow2.f32 v0;
	_ =	sdelay $0x8  }
0x17c: {  	v0 =	vpop (erf)  }
0x17d: {  	v0 =	vadd.f32 $1.000000000e+00, v0;
	_ =	sdelay $0x1  }
0x17e: {  	(erf) = vrcp.f32 v0;
	_ =	sdelay $0x6  }
.Ltmp3:
0x17f: {  	(pc) =	sbr.rel @p0 .LBB2_8-.Ltmp3, $4  }
0x180: {  	_ = 	snop  }
0x181: {  	v0 =	vpop (erf)  }
0x182: {  	s21 =	sand.u32 $0x1F0, s20;
	[tilespmem:s19+$0x0] =	vst v0  }
0x183: {  	s20 =	sadd.s32 $0x10, s20;
	s19 =	sadd.s32 $0x10, s19;
	v0 =	vld [tilespmem:s21+$0x8E00]  }
0x184: {  	v1 =	vld [tilespmem:s19+$0x0];
	_ =	sdelay $0x1  }
0x185: {  	v2 =	vld [tilespmem:s21+$0x9000];
	_ =	sdelay $0x1  }
0x186: {  	v3 =	vld [tilespmem:s21+$0x9200]  }
0x187: {  	v0 =	vadd.f32 v0, v1  }
0x188: {  	v54 =	vld [tilespmem:s21+$0x9400]  }
0x189: {  	v0 =	vadd.f32 v2, v0  }
0x18a: {  	v55 =	vld [tilespmem:s21+$0x9600]  }
0x18b: {  	v0 =	vadd.f32 v3, v0  }
0x18c: {  	v56 =	vld [tilespmem:s21+$0x9800]  }
0x18d: {  	v0 =	vadd.f32 v54, v0  }
0x18e: {  	v57 =	vld [tilespmem:s21+$0x9A00]  }
0x18f: {  	v0 =	vadd.f32 v55, v0  }
0x190: {  	v58 =	vld [tilespmem:s21+$0x9C00]  }
0x191: {  	v0 =	vadd.f32 v56, v0  }
0x192: {  	v59 =	vld [tilespmem:s21+$0x9E00]  }
0x193: {  	v0 =	vadd.f32 v57, v0  }
0x194: {  	v60 =	vld [tilespmem:s21+$0xA000]  }
0x195: {  	v0 =	vadd.f32 v58, v0  }
0x196: {  	v61 =	vld [tilespmem:s21+$0xA200]  }
0x197: {  	v0 =	vadd.f32 v59, v0  }
0x198: {  	v62 =	vld [tilespmem:s21+$0xA400]  }
0x199: {  	v0 =	vadd.f32 v60, v0  }
0x19a: {  	v63 =	vld [tilespmem:s21+$0xA600]  }
0x19b: {  	v0 =	vadd.f32 v61, v0;
	_ =	sdelay $0x1  }
0x19c: {  	v0 =	vadd.f32 v62, v0;
	_ =	sdelay $0x1  }
0x19d: {  	v0 =	vadd.f32 v63, v0;
	_ =	sdelay $0x1  }
0x19e: {  	v0 =	vsub.f32 $0.0e+00, v0;
	_ =	sdelay $0x1  }
0x19f: {  	v0 =	vmul.f32 $1.442695020e+00, v0;
	_ =	sdelay $0x1  }
0x1a0: {  	(erf) = vpow2.f32 v0;
	_ =	sdelay $0x8  }
0x1a1: {  	v0 =	vpop (erf)  }
0x1a2: {  	v0 =	vadd.f32 $1.000000000e+00, v0;
	_ =	sdelay $0x1  }
0x1a3: {  	(erf) = vrcp.f32 v0;
	_ =	sdelay $0x7  }
0x1a4: {  	s18 =	sadd.s32 $0x1, s18  }
0x1a5: {  	p0 =	sne.s32 s18, s6;
	v0 =	vpop (erf)  }
.Ltmp4:
0x1a6: {  	[tilespmem:s19+$0x0] =	vst v0;
	(pc) =	sbr.rel @p0 .LBB2_1-.Ltmp4, $4  }
0x1a7: {  	[hbm4b:s5+s2] =	stream.linear.scatter [tilespmem:s17], [sflag:$0x3], $0x200, $0x38;
	[tilespmem:$0xAA00] =	vst v63  }
0x1a8: {  	_ =	swait.ge [sflag:s9], $0x200  }
0x1a9: {  	[sflag:s9] =	ssyncset.done $0x0  }
0x1aa: {  	[sflag:s9] =	ssyncadd.s32 $0xFFFFFE00  }
0x1ab: {  	_ =	sfence.sel $0x180000  }
0x1ac: {  	[bflag:$0x0] =	sbarrier.arrive $0xFFFF  }
0x1ad: {  	p0 =	sne.s32 s1, $0x0;
	_ =	strace $0x90000047  }
0x1ae: {  	s0 =	sadd.s32 @!p0 $0x100000, s0;
	[bflag:$0x2] =	sbarrier.arrive $0xFFFF  }
0x1af: {  	[sflag:s0] =	ssyncadd.tile.s32 @!p0 $0x1;
	_ =	shalt  }
.Lfunc_end2:
_tile_overlayer_lowered:
.L_overlay_start_2:
0x1b0: {  	(tag) =	ssettag $0x2  }
0x1b1: {  	s0 =	rddreg [dreg:$0x0];
	s2 =	stileid.u32  }
0x1b2: {  	s1 =	rddreg [dreg:$0x1];
	p0 =	sne.s32 s2, $0x0  }
0x1b3: {  	s3 =	rddreg [dreg:$0x2];
	[bflag:$0x3] =	sbarrier.arrive $0xFFFF;
	s2 =	simm.s32 @!p0 $0x1C03  }
0x1b4: {  	[timem:s3], [sflag:s2] =	dma.local @!p0 [hbm:s0], s1  }
0x1b5: {  	s0 =	simm.s32 @!p0 $0x3  }
0x1b6: {  	_ =	swait.ge @!p0 [sflag:s0], s1  }
0x1b7: {  	s1 =	ssub.s32 @!p0 $0x0, s1;
	[sflag:s0] =	ssyncset.done @!p0 $0x0  }
0x1b8: {  	[sflag:s0] =	ssyncadd.s32 @!p0 s1  }
0x1b9: {  	[bflag:$0x3] =	sbarrier.arrive $0xFFFF  }
0x1ba: {  	_ =	shalt  }

</sc_bundles>
